<compile_context>
chip_gen: v7x
topology: tpu7x:2x2x1
jax: 0.10.2.dev20260603
libtpu: 0.0.44.dev20260713+nightly
codegen_flags: <defaults>
</compile_context>

<pallas_src>
import jax
import jax.numpy as jnp
from jax import lax
from jax.experimental import pallas as pl
from jax.experimental.pallas import tpu as pltpu
from jax.experimental.pallas import tpu_sc as plsc

B, L, H = 1024, 200, 64
MAXLEN, TYPE_VOCAB = 200, 2
N = B * L
EPS = 1e-5

_info = plsc.get_sparse_core_info()
NC, NS = _info.num_cores, _info.num_subcores
NW = NC * NS
PER_W = N // NW
C = 320
NCHUNK = PER_W // C


def _rsqrt(x):
    i = plsc.bitcast(x, jnp.int32)
    i = jnp.int32(0x5F3759DF) - (i >> 1)
    y = plsc.bitcast(i, jnp.float32)
    for _ in range(2):
        y = y * (1.5 - 0.5 * x * y * y)
    return y


def _body(x_hbm, pid_hbm, sid_hbm, word_hbm, posw_hbm, sentw_hbm, gam_hbm,
          bet_hbm, out_hbm,
          xidx0, xidx1, pidx0, pidx1, sidx0, sidx1, cidx,
          rows0, rows1, posw, sentw, combo, gamv, betv,
          gsem0, gsem1, osem0, osem1):
    wid = lax.axis_index("s") * NC + lax.axis_index("c")
    wbase = wid * PER_W

    xidx = (xidx0, xidx1)
    pidx = (pidx0, pidx1)
    sidx = (sidx0, sidx1)
    rows = (rows0, rows1)
    gsem = (gsem0, gsem1)
    osem = (osem0, osem1)

    pltpu.sync_copy(posw_hbm, posw)
    pltpu.sync_copy(sentw_hbm, sentw)
    pltpu.sync_copy(gam_hbm, gamv)
    pltpu.sync_copy(bet_hbm, betv)

    iota = lax.iota(jnp.int32, 16)
    kio = [iota + (k * 16) for k in range(4)]

    s0 = [sentw[0, pl.ds(k * 16, 16)] for k in range(4)]
    s1 = [sentw[1, pl.ds(k * 16, 16)] for k in range(4)]

    @plsc.parallel_loop(0, MAXLEN)
    def _build(p):
        for k in range(4):
            pr = posw[p, pl.ds(k * 16, 16)]
            combo[2 * p, pl.ds(k * 16, 16)] = pr + s0[k]
            combo[2 * p + 1, pl.ds(k * 16, 16)] = pr + s1[k]

    gk = [gamv[pl.ds(k * 16, 16)] for k in range(4)]
    bk = [betv[pl.ds(k * 16, 16)] for k in range(4)]

    pltpu.sync_copy(x_hbm.at[pl.ds(wbase, C)], xidx[0])
    pltpu.sync_copy(pid_hbm.at[pl.ds(wbase, C)], pidx[0])
    pltpu.sync_copy(sid_hbm.at[pl.ds(wbase, C)], sidx[0])
    pltpu.async_copy(word_hbm.at[xidx[0]], rows[0], gsem[0])

    def pair_body(j, carry):
        for b in range(2):
            ci = 2 * j + b
            nb = 1 - b
            base = wbase + ci * C

            @pl.when(ci + 1 < NCHUNK)
            def _prefetch():
                nbase = base + C
                pltpu.sync_copy(x_hbm.at[pl.ds(nbase, C)], xidx[nb])
                pltpu.sync_copy(pid_hbm.at[pl.ds(nbase, C)], pidx[nb])
                pltpu.sync_copy(sid_hbm.at[pl.ds(nbase, C)], sidx[nb])

                @pl.when(ci >= 1)
                def _drain_out():
                    pltpu.make_async_copy(
                        rows[nb], out_hbm.at[pl.ds(wbase, C)], osem[nb]
                    ).wait()

                pltpu.async_copy(word_hbm.at[xidx[nb]], rows[nb], gsem[nb])

            pltpu.make_async_copy(
                word_hbm.at[xidx[b]], rows[b], gsem[b]).wait()

            @plsc.parallel_loop(0, C // 16)
            def _mkcidx(g):
                t0 = g * 16
                cidx[pl.ds(t0, 16)] = (pidx[b][pl.ds(t0, 16)] * 2
                                       + sidx[b][pl.ds(t0, 16)])

            rb = rows[b]

            @plsc.parallel_loop(0, C, unroll=4)
            def _tok(t):
                tsplat = jnp.full((16,), t, jnp.int32)
                csplat = plsc.load_gather(cidx, [tsplat])
                w = [rb[t, pl.ds(k * 16, 16)] for k in range(4)]
                cv = [plsc.load_gather(combo, [csplat, kio[k]])
                      for k in range(4)]
                v = [w[k] + cv[k] for k in range(4)]
                sq = [v[k] * v[k] for k in range(4)]
                tot = jnp.sum((v[0] + v[1]) + (v[2] + v[3]))
                totq = jnp.sum((sq[0] + sq[1]) + (sq[2] + sq[3]))
                mean = jnp.full((16,), tot, jnp.float32) * (1.0 / H)
                ex2 = jnp.full((16,), totq, jnp.float32) * (1.0 / H)
                r = _rsqrt(ex2 - mean * mean + EPS)
                m2 = -(mean * r)
                for k in range(4):
                    rb[t, pl.ds(k * 16, 16)] = (v[k] * r + m2) * gk[k] + bk[k]

            pltpu.async_copy(rb, out_hbm.at[pl.ds(base, C)], osem[b])
        return carry

    lax.fori_loop(0, NCHUNK // 2, pair_body, 0, unroll=False)

    for b in range(2):
        pltpu.make_async_copy(
            rows[b], out_hbm.at[pl.ds(wbase, C)], osem[b]).wait()


def kernel(x, pos_ids, sent_ids, word_W, pos_W, sent_W, gamma, beta):
    xf = x.reshape(N).astype(jnp.int32)
    pf = pos_ids.reshape(N).astype(jnp.int32)
    sf = sent_ids.reshape(N).astype(jnp.int32)
    mesh = plsc.VectorSubcoreMesh(core_axis_name="c", subcore_axis_name="s")
    f = pl.kernel(
        _body,
        out_type=jax.ShapeDtypeStruct((N, H), jnp.float32),
        mesh=mesh,
        compiler_params=pltpu.CompilerParams(needs_layout_passes=False,
                                             use_tc_tiling_on_sc=False),
        scratch_types=[
            pltpu.VMEM((C,), jnp.int32),
            pltpu.VMEM((C,), jnp.int32),
            pltpu.VMEM((C,), jnp.int32),
            pltpu.VMEM((C,), jnp.int32),
            pltpu.VMEM((C,), jnp.int32),
            pltpu.VMEM((C,), jnp.int32),
            pltpu.VMEM((C,), jnp.int32),
            pltpu.VMEM((C, H), jnp.float32),
            pltpu.VMEM((C, H), jnp.float32),
            pltpu.VMEM((MAXLEN, H), jnp.float32),
            pltpu.VMEM((TYPE_VOCAB, H), jnp.float32),
            pltpu.VMEM((2 * MAXLEN, H), jnp.float32),
            pltpu.VMEM((H,), jnp.float32),
            pltpu.VMEM((H,), jnp.float32),
            pltpu.SemaphoreType.DMA,
            pltpu.SemaphoreType.DMA,
            pltpu.SemaphoreType.DMA,
            pltpu.SemaphoreType.DMA,
        ],
    )
    out = f(xf, pf, sf, word_W.astype(jnp.float32), pos_W.astype(jnp.float32),
            sent_W.astype(jnp.float32), gamma.astype(jnp.float32),
            beta.astype(jnp.float32))
    return out.reshape(B, L, H)

# --- scband reference (transcript-rebuilt; emitter-appended) ---
"""Pipeline reference for scband-bert-embedding-31997506355441 (READ-ONLY COPY).

The authoritative reference and input builder live on the scoring server;
editing this copy changes nothing except your own understanding.
"""

import jax, jax.numpy as jnp
import numpy as np

B, L = 1024, 200
VOCAB, MAXLEN, TYPE_VOCAB, H = 1000000, 200, 2, 64
EPS = 1e-05


def setup_inputs(seed: int = 0) -> dict:
    key = jax.random.key(seed)
    ks = jax.random.split(key, 8)
    x = jax.random.randint(ks[0], (B, L), 0, VOCAB, dtype=jnp.int64 if jax.config.jax_enable_x64 else jnp.int32)
    pos_ids = jax.random.randint(ks[1], (B, L), 0, MAXLEN, dtype=x.dtype)
    sent_ids = jax.random.randint(ks[2], (B, L), 0, TYPE_VOCAB, dtype=x.dtype)
    word_W = jax.random.normal(ks[3], (VOCAB, H), dtype=jnp.float32) * 0.02
    word_W = word_W.at[0].set(0.0)  # padding_idx=0
    pos_W = jax.random.normal(ks[4], (MAXLEN, H), dtype=jnp.float32) * 0.02
    pos_W = pos_W.at[0].set(0.0)
    sent_W = jax.random.normal(ks[5], (TYPE_VOCAB, H), dtype=jnp.float32) * 0.02
    sent_W = sent_W.at[0].set(0.0)
    gamma = jnp.ones((H,), dtype=jnp.float32)
    beta = jnp.zeros((H,), dtype=jnp.float32)
    return {"x": x, "pos_ids": pos_ids, "sent_ids": sent_ids,
            "word_W": word_W, "pos_W": pos_W, "sent_W": sent_W,
            "gamma": gamma, "beta": beta}


def reference(x, pos_ids, sent_ids, word_W, pos_W, sent_W, gamma, beta):
    # embedding lookups (gather)
    seqs = jnp.take(word_W, x, axis=0)
    seqs = seqs + jnp.take(pos_W, pos_ids, axis=0)
    seqs = seqs + jnp.take(sent_W, sent_ids, axis=0)
    # LayerNorm over last dim, eps=1e-5
    mean = jnp.mean(seqs, axis=-1, keepdims=True)
    var = jnp.mean(jnp.square(seqs - mean), axis=-1, keepdims=True)
    normed = (seqs - mean) / jnp.sqrt(var + EPS)
    out = normed * gamma + beta
    # dropout is identity in eval mode
    return out

if __name__ == "__main__":
    import jax
    _d = setup_inputs()
    print(jax.jit(kernel)(*tuple(_d.values())))

</pallas_src>

<mosaic_0001>
#map = affine_map<(d0, d1) -> (0)>
#map1 = affine_map<(d0, d1) -> (0, 0)>
module attributes {stable_mosaic.version = 14 : i64} {
  func.func @_body(%arg0: i32, %arg1: i32, %arg2: memref<204800xi32, #tpu.memory_space<hbm>>, %arg3: memref<204800xi32, #tpu.memory_space<hbm>>, %arg4: memref<204800xi32, #tpu.memory_space<hbm>>, %arg5: memref<1000000x64xf32, #tpu.memory_space<hbm>>, %arg6: memref<200x64xf32, #tpu.memory_space<hbm>>, %arg7: memref<2x64xf32, #tpu.memory_space<hbm>>, %arg8: memref<64xf32, #tpu.memory_space<hbm>>, %arg9: memref<64xf32, #tpu.memory_space<hbm>>, %arg10: memref<204800x64xf32, #tpu.memory_space<hbm>>, %arg11: memref<320xi32, #tpu.memory_space<vmem>>, %arg12: memref<320xi32, #tpu.memory_space<vmem>>, %arg13: memref<320xi32, #tpu.memory_space<vmem>>, %arg14: memref<320xi32, #tpu.memory_space<vmem>>, %arg15: memref<320xi32, #tpu.memory_space<vmem>>, %arg16: memref<320xi32, #tpu.memory_space<vmem>>, %arg17: memref<320xi32, #tpu.memory_space<vmem>>, %arg18: memref<320x64xf32, #tpu.memory_space<vmem>>, %arg19: memref<320x64xf32, #tpu.memory_space<vmem>>, %arg20: memref<200x64xf32, #tpu.memory_space<vmem>>, %arg21: memref<2x64xf32, #tpu.memory_space<vmem>>, %arg22: memref<400x64xf32, #tpu.memory_space<vmem>>, %arg23: memref<64xf32, #tpu.memory_space<vmem>>, %arg24: memref<64xf32, #tpu.memory_space<vmem>>, %arg25: memref<!tpu.dma_semaphore, #tpu.memory_space<semaphore_mem>>, %arg26: memref<!tpu.dma_semaphore, #tpu.memory_space<semaphore_mem>>, %arg27: memref<!tpu.dma_semaphore, #tpu.memory_space<semaphore_mem>>, %arg28: memref<!tpu.dma_semaphore, #tpu.memory_space<semaphore_mem>>) attributes {dimension_semantics = [#tpu.dimension_semantics<core_parallel>, #tpu.dimension_semantics<subcore_parallel>], iteration_bounds = array<i64: 2, 16>, scalar_prefetch = 0 : i64, scratch_operands = 18 : i64, tpu.core_type = #tpu.core_type<sc_vector_subcore>, window_params = [{transform_indices = #map}, {transform_indices = #map}, {transform_indices = #map}, {transform_indices = #map1}, {transform_indices = #map1}, {transform_indices = #map1}, {transform_indices = #map}, {transform_indices = #map}, {transform_indices = #map1}]} {
    %mul3A = arith.constant 2 : i32
    %mul3A_0 = arith.muli %arg1, %mul3A : i32
    %add3A = arith.addi %mul3A_0, %arg0 : i32
    %mul3A_1 = arith.constant 6400 : i32
    %mul3A_2 = arith.muli %add3A, %mul3A_1 : i32
    "tpu.region"() ({
      %run_scoped3A = tpu.sem_alloc : memref<!tpu.dma_semaphore, #tpu.memory_space<semaphore_mem>>
      tpu.enqueue_dma source(%arg6 : memref<200x64xf32, #tpu.memory_space<hbm>>) target(%arg20 : memref<200x64xf32, #tpu.memory_space<vmem>>) target_semaphore(%run_scoped3A : memref<!tpu.dma_semaphore, #tpu.memory_space<semaphore_mem>>)
      tpu.wait_dma2 semaphore(%run_scoped3A : memref<!tpu.dma_semaphore, #tpu.memory_space<semaphore_mem>>) src(%arg6 : memref<200x64xf32, #tpu.memory_space<hbm>>) dst(%arg20 : memref<200x64xf32, #tpu.memory_space<vmem>>)
      tpu.yield
    }) : () -> ()
    "tpu.region"() ({
      %run_scoped3A = tpu.sem_alloc : memref<!tpu.dma_semaphore, #tpu.memory_space<semaphore_mem>>
      tpu.enqueue_dma source(%arg7 : memref<2x64xf32, #tpu.memory_space<hbm>>) target(%arg21 : memref<2x64xf32, #tpu.memory_space<vmem>>) target_semaphore(%run_scoped3A : memref<!tpu.dma_semaphore, #tpu.memory_space<semaphore_mem>>)
      tpu.wait_dma2 semaphore(%run_scoped3A : memref<!tpu.dma_semaphore, #tpu.memory_space<semaphore_mem>>) src(%arg7 : memref<2x64xf32, #tpu.memory_space<hbm>>) dst(%arg21 : memref<2x64xf32, #tpu.memory_space<vmem>>)
      tpu.yield
    }) : () -> ()
    "tpu.region"() ({
      %run_scoped3A = tpu.sem_alloc : memref<!tpu.dma_semaphore, #tpu.memory_space<semaphore_mem>>
      tpu.enqueue_dma source(%arg8 : memref<64xf32, #tpu.memory_space<hbm>>) target(%arg23 : memref<64xf32, #tpu.memory_space<vmem>>) target_semaphore(%run_scoped3A : memref<!tpu.dma_semaphore, #tpu.memory_space<semaphore_mem>>)
      tpu.wait_dma2 semaphore(%run_scoped3A : memref<!tpu.dma_semaphore, #tpu.memory_space<semaphore_mem>>) src(%arg8 : memref<64xf32, #tpu.memory_space<hbm>>) dst(%arg23 : memref<64xf32, #tpu.memory_space<vmem>>)
      tpu.yield
    }) : () -> ()
    "tpu.region"() ({
      %run_scoped3A = tpu.sem_alloc : memref<!tpu.dma_semaphore, #tpu.memory_space<semaphore_mem>>
      tpu.enqueue_dma source(%arg9 : memref<64xf32, #tpu.memory_space<hbm>>) target(%arg24 : memref<64xf32, #tpu.memory_space<vmem>>) target_semaphore(%run_scoped3A : memref<!tpu.dma_semaphore, #tpu.memory_space<semaphore_mem>>)
      tpu.wait_dma2 semaphore(%run_scoped3A : memref<!tpu.dma_semaphore, #tpu.memory_space<semaphore_mem>>) src(%arg9 : memref<64xf32, #tpu.memory_space<hbm>>) dst(%arg24 : memref<64xf32, #tpu.memory_space<vmem>>)
      tpu.yield
    }) : () -> ()
    %iota3A = tpu.iota {dimensions = array<i32: 0>} : vector<16xi32>
    %add3A_3 = arith.constant 0 : i32
    %add3A_4 = vector.broadcast %add3A_3 : i32 to vector<16xi32>
    %add3A_5 = arith.addi %iota3A, %add3A_4 : vector<16xi32>
    %add3A_6 = arith.constant 16 : i32
    %add3A_7 = vector.broadcast %add3A_6 : i32 to vector<16xi32>
    %add3A_8 = arith.addi %iota3A, %add3A_7 : vector<16xi32>
    %add3A_9 = arith.constant 32 : i32
    %add3A_10 = vector.broadcast %add3A_9 : i32 to vector<16xi32>
    %add3A_11 = arith.addi %iota3A, %add3A_10 : vector<16xi32>
    %add3A_12 = arith.constant 48 : i32
    %add3A_13 = vector.broadcast %add3A_12 : i32 to vector<16xi32>
    %add3A_14 = arith.addi %iota3A, %add3A_13 : vector<16xi32>
    %get3A = arith.constant 0 : i32
    %get3A_15 = arith.index_cast %get3A : i32 to index
    %get3A_16 = arith.constant 0 : index
    %get3A_17 = tpu.vector_load %arg21[%get3A_15, %get3A_16] {strides = array<i32>} : memref<2x64xf32, #tpu.memory_space<vmem>>, vector<16xf32>,
    %get3A_18 = arith.constant 0 : i32
    %get3A_19 = arith.index_cast %get3A_18 : i32 to index
    %get3A_20 = arith.constant 16 : index
    %get3A_21 = tpu.vector_load %arg21[%get3A_19, %get3A_20] {strides = array<i32>} : memref<2x64xf32, #tpu.memory_space<vmem>>, vector<16xf32>,
    %get3A_22 = arith.constant 0 : i32
    %get3A_23 = arith.index_cast %get3A_22 : i32 to index
    %get3A_24 = arith.constant 32 : index
    %get3A_25 = tpu.vector_load %arg21[%get3A_23, %get3A_24] {strides = array<i32>} : memref<2x64xf32, #tpu.memory_space<vmem>>, vector<16xf32>,
    %get3A_26 = arith.constant 0 : i32
    %get3A_27 = arith.index_cast %get3A_26 : i32 to index
    %get3A_28 = arith.constant 48 : index
    %get3A_29 = tpu.vector_load %arg21[%get3A_27, %get3A_28] {strides = array<i32>} : memref<2x64xf32, #tpu.memory_space<vmem>>, vector<16xf32>,
    %get3A_30 = arith.constant 1 : i32
    %get3A_31 = arith.index_cast %get3A_30 : i32 to index
    %get3A_32 = arith.constant 0 : index
    %get3A_33 = tpu.vector_load %arg21[%get3A_31, %get3A_32] {strides = array<i32>} : memref<2x64xf32, #tpu.memory_space<vmem>>, vector<16xf32>,
    %get3A_34 = arith.constant 1 : i32
    %get3A_35 = arith.index_cast %get3A_34 : i32 to index
    %get3A_36 = arith.constant 16 : index
    %get3A_37 = tpu.vector_load %arg21[%get3A_35, %get3A_36] {strides = array<i32>} : memref<2x64xf32, #tpu.memory_space<vmem>>, vector<16xf32>,
    %get3A_38 = arith.constant 1 : i32
    %get3A_39 = arith.index_cast %get3A_38 : i32 to index
    %get3A_40 = arith.constant 32 : index
    %get3A_41 = tpu.vector_load %arg21[%get3A_39, %get3A_40] {strides = array<i32>} : memref<2x64xf32, #tpu.memory_space<vmem>>, vector<16xf32>,
    %get3A_42 = arith.constant 1 : i32
    %get3A_43 = arith.index_cast %get3A_42 : i32 to index
    %get3A_44 = arith.constant 48 : index
    %get3A_45 = tpu.vector_load %arg21[%get3A_43, %get3A_44] {strides = array<i32>} : memref<2x64xf32, #tpu.memory_space<vmem>>, vector<16xf32>,
    %parallel_loop3A = arith.constant 0 : i32
    %parallel_loop3A_46 = arith.constant 200 : i32
    %parallel_loop3A_47 = arith.constant 1 : i32
    scf.for %parallel_loop3A_78 = %parallel_loop3A to %parallel_loop3A_46 step %parallel_loop3A_47  : i32 {
      %parallel_loop3A_79 = arith.index_cast %parallel_loop3A_78 : i32 to index
      %parallel_loop3A_80 = arith.constant 0 : index
      %parallel_loop3A_81 = tpu.vector_load %arg20[%parallel_loop3A_79, %parallel_loop3A_80] {strides = array<i32>} : memref<200x64xf32, #tpu.memory_space<vmem>>, vector<16xf32>,
      %parallel_loop3A_82 = arith.addf %parallel_loop3A_81, %get3A_17 : vector<16xf32>
      %parallel_loop3A_83 = arith.constant 2 : i32
      %parallel_loop3A_84 = arith.muli %parallel_loop3A_83, %parallel_loop3A_78 : i32
      %parallel_loop3A_85 = arith.index_cast %parallel_loop3A_84 : i32 to index
      %parallel_loop3A_86 = arith.constant 0 : index
      %parallel_loop3A_87 = tpu.vector_load %arg22[%parallel_loop3A_85, %parallel_loop3A_86] {strides = array<i32>} : memref<400x64xf32, #tpu.memory_space<vmem>>, vector<16xf32>,
      tpu.vector_store %arg22[%parallel_loop3A_85, %parallel_loop3A_86], %parallel_loop3A_82 {strides = array<i32>} : memref<400x64xf32, #tpu.memory_space<vmem>>, vector<16xf32>,
      %parallel_loop3A_88 = arith.addf %parallel_loop3A_81, %get3A_33 : vector<16xf32>
      %parallel_loop3A_89 = arith.constant 2 : i32
      %parallel_loop3A_90 = arith.muli %parallel_loop3A_89, %parallel_loop3A_78 : i32
      %parallel_loop3A_91 = arith.constant 1 : i32
      %parallel_loop3A_92 = arith.addi %parallel_loop3A_90, %parallel_loop3A_91 : i32
      %parallel_loop3A_93 = arith.index_cast %parallel_loop3A_92 : i32 to index
      %parallel_loop3A_94 = arith.constant 0 : index
      %parallel_loop3A_95 = tpu.vector_load %arg22[%parallel_loop3A_93, %parallel_loop3A_94] {strides = array<i32>} : memref<400x64xf32, #tpu.memory_space<vmem>>, vector<16xf32>,
      tpu.vector_store %arg22[%parallel_loop3A_93, %parallel_loop3A_94], %parallel_loop3A_88 {strides = array<i32>} : memref<400x64xf32, #tpu.memory_space<vmem>>, vector<16xf32>,
      %parallel_loop3A_96 = arith.index_cast %parallel_loop3A_78 : i32 to index
      %parallel_loop3A_97 = arith.constant 16 : index
      %parallel_loop3A_98 = tpu.vector_load %arg20[%parallel_loop3A_96, %parallel_loop3A_97] {strides = array<i32>} : memref<200x64xf32, #tpu.memory_space<vmem>>, vector<16xf32>,
      %parallel_loop3A_99 = arith.addf %parallel_loop3A_98, %get3A_21 : vector<16xf32>
      %parallel_loop3A_100 = arith.constant 2 : i32
      %parallel_loop3A_101 = arith.muli %parallel_loop3A_100, %parallel_loop3A_78 : i32
      %parallel_loop3A_102 = arith.index_cast %parallel_loop3A_101 : i32 to index
      %parallel_loop3A_103 = arith.constant 16 : index
      %parallel_loop3A_104 = tpu.vector_load %arg22[%parallel_loop3A_102, %parallel_loop3A_103] {strides = array<i32>} : memref<400x64xf32, #tpu.memory_space<vmem>>, vector<16xf32>,
      tpu.vector_store %arg22[%parallel_loop3A_102, %parallel_loop3A_103], %parallel_loop3A_99 {strides = array<i32>} : memref<400x64xf32, #tpu.memory_space<vmem>>, vector<16xf32>,
      %parallel_loop3A_105 = arith.addf %parallel_loop3A_98, %get3A_37 : vector<16xf32>
      %parallel_loop3A_106 = arith.constant 2 : i32
      %parallel_loop3A_107 = arith.muli %parallel_loop3A_106, %parallel_loop3A_78 : i32
      %parallel_loop3A_108 = arith.constant 1 : i32
      %parallel_loop3A_109 = arith.addi %parallel_loop3A_107, %parallel_loop3A_108 : i32
      %parallel_loop3A_110 = arith.index_cast %parallel_loop3A_109 : i32 to index
      %parallel_loop3A_111 = arith.constant 16 : index
      %parallel_loop3A_112 = tpu.vector_load %arg22[%parallel_loop3A_110, %parallel_loop3A_111] {strides = array<i32>} : memref<400x64xf32, #tpu.memory_space<vmem>>, vector<16xf32>,
      tpu.vector_store %arg22[%parallel_loop3A_110, %parallel_loop3A_111], %parallel_loop3A_105 {strides = array<i32>} : memref<400x64xf32, #tpu.memory_space<vmem>>, vector<16xf32>,
      %parallel_loop3A_113 = arith.index_cast %parallel_loop3A_78 : i32 to index
      %parallel_loop3A_114 = arith.constant 32 : index
      %parallel_loop3A_115 = tpu.vector_load %arg20[%parallel_loop3A_113, %parallel_loop3A_114] {strides = array<i32>} : memref<200x64xf32, #tpu.memory_space<vmem>>, vector<16xf32>,
      %parallel_loop3A_116 = arith.addf %parallel_loop3A_115, %get3A_25 : vector<16xf32>
      %parallel_loop3A_117 = arith.constant 2 : i32
      %parallel_loop3A_118 = arith.muli %parallel_loop3A_117, %parallel_loop3A_78 : i32
      %parallel_loop3A_119 = arith.index_cast %parallel_loop3A_118 : i32 to index
      %parallel_loop3A_120 = arith.constant 32 : index
      %parallel_loop3A_121 = tpu.vector_load %arg22[%parallel_loop3A_119, %parallel_loop3A_120] {strides = array<i32>} : memref<400x64xf32, #tpu.memory_space<vmem>>, vector<16xf32>,
      tpu.vector_store %arg22[%parallel_loop3A_119, %parallel_loop3A_120], %parallel_loop3A_116 {strides = array<i32>} : memref<400x64xf32, #tpu.memory_space<vmem>>, vector<16xf32>,
      %parallel_loop3A_122 = arith.addf %parallel_loop3A_115, %get3A_41 : vector<16xf32>
      %parallel_loop3A_123 = arith.constant 2 : i32
      %parallel_loop3A_124 = arith.muli %parallel_loop3A_123, %parallel_loop3A_78 : i32
      %parallel_loop3A_125 = arith.constant 1 : i32
      %parallel_loop3A_126 = arith.addi %parallel_loop3A_124, %parallel_loop3A_125 : i32
      %parallel_loop3A_127 = arith.index_cast %parallel_loop3A_126 : i32 to index
      %parallel_loop3A_128 = arith.constant 32 : index
      %parallel_loop3A_129 = tpu.vector_load %arg22[%parallel_loop3A_127, %parallel_loop3A_128] {strides = array<i32>} : memref<400x64xf32, #tpu.memory_space<vmem>>, vector<16xf32>,
      tpu.vector_store %arg22[%parallel_loop3A_127, %parallel_loop3A_128], %parallel_loop3A_122 {strides = array<i32>} : memref<400x64xf32, #tpu.memory_space<vmem>>, vector<16xf32>,
      %parallel_loop3A_130 = arith.index_cast %parallel_loop3A_78 : i32 to index
      %parallel_loop3A_131 = arith.constant 48 : index
      %parallel_loop3A_132 = tpu.vector_load %arg20[%parallel_loop3A_130, %parallel_loop3A_131] {strides = array<i32>} : memref<200x64xf32, #tpu.memory_space<vmem>>, vector<16xf32>,
      %parallel_loop3A_133 = arith.addf %parallel_loop3A_132, %get3A_29 : vector<16xf32>
      %parallel_loop3A_134 = arith.constant 2 : i32
      %parallel_loop3A_135 = arith.muli %parallel_loop3A_134, %parallel_loop3A_78 : i32
      %parallel_loop3A_136 = arith.index_cast %parallel_loop3A_135 : i32 to index
      %parallel_loop3A_137 = arith.constant 48 : index
      %parallel_loop3A_138 = tpu.vector_load %arg22[%parallel_loop3A_136, %parallel_loop3A_137] {strides = array<i32>} : memref<400x64xf32, #tpu.memory_space<vmem>>, vector<16xf32>,
      tpu.vector_store %arg22[%parallel_loop3A_136, %parallel_loop3A_137], %parallel_loop3A_133 {strides = array<i32>} : memref<400x64xf32, #tpu.memory_space<vmem>>, vector<16xf32>,
      %parallel_loop3A_139 = arith.addf %parallel_loop3A_132, %get3A_45 : vector<16xf32>
      %parallel_loop3A_140 = arith.constant 2 : i32
      %parallel_loop3A_141 = arith.muli %parallel_loop3A_140, %parallel_loop3A_78 : i32
      %parallel_loop3A_142 = arith.constant 1 : i32
      %parallel_loop3A_143 = arith.addi %parallel_loop3A_141, %parallel_loop3A_142 : i32
      %parallel_loop3A_144 = arith.index_cast %parallel_loop3A_143 : i32 to index
      %parallel_loop3A_145 = arith.constant 48 : index
      %parallel_loop3A_146 = tpu.vector_load %arg22[%parallel_loop3A_144, %parallel_loop3A_145] {strides = array<i32>} : memref<400x64xf32, #tpu.memory_space<vmem>>, vector<16xf32>,
      tpu.vector_store %arg22[%parallel_loop3A_144, %parallel_loop3A_145], %parallel_loop3A_139 {strides = array<i32>} : memref<400x64xf32, #tpu.memory_space<vmem>>, vector<16xf32>,
    } {sc.loop_unroll_factor = 1 : i64, sc.parallel_access}
    %get3A_48 = arith.constant 0 : index
    %get3A_49 = tpu.vector_load %arg23[%get3A_48] {strides = array<i32>} : memref<64xf32, #tpu.memory_space<vmem>>, vector<16xf32>,
    %get3A_50 = arith.constant 16 : index
    %get3A_51 = tpu.vector_load %arg23[%get3A_50] {strides = array<i32>} : memref<64xf32, #tpu.memory_space<vmem>>, vector<16xf32>,
    %get3A_52 = arith.constant 32 : index
    %get3A_53 = tpu.vector_load %arg23[%get3A_52] {strides = array<i32>} : memref<64xf32, #tpu.memory_space<vmem>>, vector<16xf32>,
    %get3A_54 = arith.constant 48 : index
    %get3A_55 = tpu.vector_load %arg23[%get3A_54] {strides = array<i32>} : memref<64xf32, #tpu.memory_space<vmem>>, vector<16xf32>,
    %get3A_56 = arith.constant 0 : index
    %get3A_57 = tpu.vector_load %arg24[%get3A_56] {strides = array<i32>} : memref<64xf32, #tpu.memory_space<vmem>>, vector<16xf32>,
    %get3A_58 = arith.constant 16 : index
    %get3A_59 = tpu.vector_load %arg24[%get3A_58] {strides = array<i32>} : memref<64xf32, #tpu.memory_space<vmem>>, vector<16xf32>,
    %get3A_60 = arith.constant 32 : index
    %get3A_61 = tpu.vector_load %arg24[%get3A_60] {strides = array<i32>} : memref<64xf32, #tpu.memory_space<vmem>>, vector<16xf32>,
    %get3A_62 = arith.constant 48 : index
    %get3A_63 = tpu.vector_load %arg24[%get3A_62] {strides = array<i32>} : memref<64xf32, #tpu.memory_space<vmem>>, vector<16xf32>,
    "tpu.region"() ({
      %run_scoped3A = tpu.sem_alloc : memref<!tpu.dma_semaphore, #tpu.memory_space<semaphore_mem>>
      %dma_start3A_78 = tpu.memref_slice %arg2[%mul3A_2] : memref<204800xi32, #tpu.memory_space<hbm>> -> memref<320xi32, #tpu.memory_space<hbm>>
      %dma_start3A_79 = tpu.memref_slice %arg2[%mul3A_2] : memref<204800xi32, #tpu.memory_space<hbm>> -> memref<320xi32, #tpu.memory_space<hbm>>
      tpu.enqueue_dma source(%dma_start3A_79 : memref<320xi32, #tpu.memory_space<hbm>>) target(%arg11 : memref<320xi32, #tpu.memory_space<vmem>>) target_semaphore(%run_scoped3A : memref<!tpu.dma_semaphore, #tpu.memory_space<semaphore_mem>>)
      %dma_wait3A_80 = tpu.memref_slice %arg2[%mul3A_2] : memref<204800xi32, #tpu.memory_space<hbm>> -> memref<320xi32, #tpu.memory_space<hbm>>
      %dma_wait3A_81 = tpu.memref_slice %arg2[%mul3A_2] : memref<204800xi32, #tpu.memory_space<hbm>> -> memref<320xi32, #tpu.memory_space<hbm>>
      tpu.wait_dma2 semaphore(%run_scoped3A : memref<!tpu.dma_semaphore, #tpu.memory_space<semaphore_mem>>) src(%dma_wait3A_81 : memref<320xi32, #tpu.memory_space<hbm>>) dst(%arg11 : memref<320xi32, #tpu.memory_space<vmem>>)
      tpu.yield
    }) : () -> ()
    "tpu.region"() ({
      %run_scoped3A = tpu.sem_alloc : memref<!tpu.dma_semaphore, #tpu.memory_space<semaphore_mem>>
      %dma_start3A_78 = tpu.memref_slice %arg3[%mul3A_2] : memref<204800xi32, #tpu.memory_space<hbm>> -> memref<320xi32, #tpu.memory_space<hbm>>
      %dma_start3A_79 = tpu.memref_slice %arg3[%mul3A_2] : memref<204800xi32, #tpu.memory_space<hbm>> -> memref<320xi32, #tpu.memory_space<hbm>>
      tpu.enqueue_dma source(%dma_start3A_79 : memref<320xi32, #tpu.memory_space<hbm>>) target(%arg13 : memref<320xi32, #tpu.memory_space<vmem>>) target_semaphore(%run_scoped3A : memref<!tpu.dma_semaphore, #tpu.memory_space<semaphore_mem>>)
      %dma_wait3A_80 = tpu.memref_slice %arg3[%mul3A_2] : memref<204800xi32, #tpu.memory_space<hbm>> -> memref<320xi32, #tpu.memory_space<hbm>>
      %dma_wait3A_81 = tpu.memref_slice %arg3[%mul3A_2] : memref<204800xi32, #tpu.memory_space<hbm>> -> memref<320xi32, #tpu.memory_space<hbm>>
      tpu.wait_dma2 semaphore(%run_scoped3A : memref<!tpu.dma_semaphore, #tpu.memory_space<semaphore_mem>>) src(%dma_wait3A_81 : memref<320xi32, #tpu.memory_space<hbm>>) dst(%arg13 : memref<320xi32, #tpu.memory_space<vmem>>)
      tpu.yield
    }) : () -> ()
    "tpu.region"() ({
      %run_scoped3A = tpu.sem_alloc : memref<!tpu.dma_semaphore, #tpu.memory_space<semaphore_mem>>
      %dma_start3A_78 = tpu.memref_slice %arg4[%mul3A_2] : memref<204800xi32, #tpu.memory_space<hbm>> -> memref<320xi32, #tpu.memory_space<hbm>>
      %dma_start3A_79 = tpu.memref_slice %arg4[%mul3A_2] : memref<204800xi32, #tpu.memory_space<hbm>> -> memref<320xi32, #tpu.memory_space<hbm>>
      tpu.enqueue_dma source(%dma_start3A_79 : memref<320xi32, #tpu.memory_space<hbm>>) target(%arg15 : memref<320xi32, #tpu.memory_space<vmem>>) target_semaphore(%run_scoped3A : memref<!tpu.dma_semaphore, #tpu.memory_space<semaphore_mem>>)
      %dma_wait3A_80 = tpu.memref_slice %arg4[%mul3A_2] : memref<204800xi32, #tpu.memory_space<hbm>> -> memref<320xi32, #tpu.memory_space<hbm>>
      %dma_wait3A_81 = tpu.memref_slice %arg4[%mul3A_2] : memref<204800xi32, #tpu.memory_space<hbm>> -> memref<320xi32, #tpu.memory_space<hbm>>
      tpu.wait_dma2 semaphore(%run_scoped3A : memref<!tpu.dma_semaphore, #tpu.memory_space<semaphore_mem>>) src(%dma_wait3A_81 : memref<320xi32, #tpu.memory_space<hbm>>) dst(%arg15 : memref<320xi32, #tpu.memory_space<vmem>>)
      tpu.yield
    }) : () -> ()
    %dma_start3A = arith.constant 0 : i32
    %dma_start3A_64 = arith.constant 0 : i32
    %dma_start3A_65 = tpu.memref_slice %arg5[%dma_start3A, %dma_start3A_64] : memref<1000000x64xf32, #tpu.memory_space<hbm>> -> memref<1000000x64xf32, #tpu.memory_space<hbm>>
    tpu.enqueue_indirect_dma source(%dma_start3A_65 : memref<1000000x64xf32, #tpu.memory_space<hbm>>) target(%arg18 : memref<320x64xf32, #tpu.memory_space<vmem>>) offsets(%arg11 : memref<320xi32, #tpu.memory_space<vmem>>) semaphore(%arg25 : memref<!tpu.dma_semaphore, #tpu.memory_space<semaphore_mem>>)
    %scan3A = arith.constant 0 : i32
    %scan3A_66 = arith.constant 0 : i32
    %scan3A_67 = arith.constant 10 : i32
    %scan3A_68 = arith.addi %scan3A_66, %scan3A_67 : i32
    %scan3A_69 = arith.constant 1 : i32
    scf.for %scan3A_78 = %scan3A_66 to %scan3A_68 step %scan3A_69  : i32 {
      %mul3A_79 = arith.constant 2 : i32
      %mul3A_80 = arith.muli %mul3A_79, %scan3A_78 : i32
      %add3A_81 = arith.constant 0 : i32
      %add3A_82 = arith.addi %mul3A_80, %add3A_81 : i32
      %mul3A_83 = arith.constant 320 : i32
      %mul3A_84 = arith.muli %add3A_82, %mul3A_83 : i32
      %add3A_85 = arith.addi %mul3A_2, %mul3A_84 : i32
      %add3A_86 = arith.constant 1 : i32
      %add3A_87 = arith.addi %add3A_82, %add3A_86 : i32
      %lt3A = arith.constant 20 : i32
      %lt3A_88 = arith.cmpi slt, %add3A_87, %lt3A : i32
      %convert_element_type3A = arith.extui %lt3A_88 : i1 to i32
      %cond3A = arith.constant 0 : i32
      %cond3A_89 = arith.cmpi ne, %convert_element_type3A, %cond3A : i32
      scf.if %cond3A_89 {
        %add3A_130 = arith.constant 320 : i32
        %add3A_131 = arith.addi %add3A_85, %add3A_130 : i32
        "tpu.region"() ({
          %run_scoped3A = tpu.sem_alloc : memref<!tpu.dma_semaphore, #tpu.memory_space<semaphore_mem>>
          %dma_start3A_139 = tpu.memref_slice %arg2[%add3A_131] : memref<204800xi32, #tpu.memory_space<hbm>> -> memref<320xi32, #tpu.memory_space<hbm>>
          %dma_start3A_140 = tpu.memref_slice %arg2[%add3A_131] : memref<204800xi32, #tpu.memory_space<hbm>> -> memref<320xi32, #tpu.memory_space<hbm>>
          tpu.enqueue_dma source(%dma_start3A_140 : memref<320xi32, #tpu.memory_space<hbm>>) target(%arg12 : memref<320xi32, #tpu.memory_space<vmem>>) target_semaphore(%run_scoped3A : memref<!tpu.dma_semaphore, #tpu.memory_space<semaphore_mem>>)
          %dma_wait3A_141 = tpu.memref_slice %arg2[%add3A_131] : memref<204800xi32, #tpu.memory_space<hbm>> -> memref<320xi32, #tpu.memory_space<hbm>>
          %dma_wait3A_142 = tpu.memref_slice %arg2[%add3A_131] : memref<204800xi32, #tpu.memory_space<hbm>> -> memref<320xi32, #tpu.memory_space<hbm>>
          tpu.wait_dma2 semaphore(%run_scoped3A : memref<!tpu.dma_semaphore, #tpu.memory_space<semaphore_mem>>) src(%dma_wait3A_142 : memref<320xi32, #tpu.memory_space<hbm>>) dst(%arg12 : memref<320xi32, #tpu.memory_space<vmem>>)
          tpu.yield
        }) : () -> ()
        "tpu.region"() ({
          %run_scoped3A = tpu.sem_alloc : memref<!tpu.dma_semaphore, #tpu.memory_space<semaphore_mem>>
          %dma_start3A_139 = tpu.memref_slice %arg3[%add3A_131] : memref<204800xi32, #tpu.memory_space<hbm>> -> memref<320xi32, #tpu.memory_space<hbm>>
          %dma_start3A_140 = tpu.memref_slice %arg3[%add3A_131] : memref<204800xi32, #tpu.memory_space<hbm>> -> memref<320xi32, #tpu.memory_space<hbm>>
          tpu.enqueue_dma source(%dma_start3A_140 : memref<320xi32, #tpu.memory_space<hbm>>) target(%arg14 : memref<320xi32, #tpu.memory_space<vmem>>) target_semaphore(%run_scoped3A : memref<!tpu.dma_semaphore, #tpu.memory_space<semaphore_mem>>)
          %dma_wait3A_141 = tpu.memref_slice %arg3[%add3A_131] : memref<204800xi32, #tpu.memory_space<hbm>> -> memref<320xi32, #tpu.memory_space<hbm>>
          %dma_wait3A_142 = tpu.memref_slice %arg3[%add3A_131] : memref<204800xi32, #tpu.memory_space<hbm>> -> memref<320xi32, #tpu.memory_space<hbm>>
          tpu.wait_dma2 semaphore(%run_scoped3A : memref<!tpu.dma_semaphore, #tpu.memory_space<semaphore_mem>>) src(%dma_wait3A_142 : memref<320xi32, #tpu.memory_space<hbm>>) dst(%arg14 : memref<320xi32, #tpu.memory_space<vmem>>)
          tpu.yield
        }) : () -> ()
        "tpu.region"() ({
          %run_scoped3A = tpu.sem_alloc : memref<!tpu.dma_semaphore, #tpu.memory_space<semaphore_mem>>
          %dma_start3A_139 = tpu.memref_slice %arg4[%add3A_131] : memref<204800xi32, #tpu.memory_space<hbm>> -> memref<320xi32, #tpu.memory_space<hbm>>
          %dma_start3A_140 = tpu.memref_slice %arg4[%add3A_131] : memref<204800xi32, #tpu.memory_space<hbm>> -> memref<320xi32, #tpu.memory_space<hbm>>
          tpu.enqueue_dma source(%dma_start3A_140 : memref<320xi32, #tpu.memory_space<hbm>>) target(%arg16 : memref<320xi32, #tpu.memory_space<vmem>>) target_semaphore(%run_scoped3A : memref<!tpu.dma_semaphore, #tpu.memory_space<semaphore_mem>>)
          %dma_wait3A_141 = tpu.memref_slice %arg4[%add3A_131] : memref<204800xi32, #tpu.memory_space<hbm>> -> memref<320xi32, #tpu.memory_space<hbm>>
          %dma_wait3A_142 = tpu.memref_slice %arg4[%add3A_131] : memref<204800xi32, #tpu.memory_space<hbm>> -> memref<320xi32, #tpu.memory_space<hbm>>
          tpu.wait_dma2 semaphore(%run_scoped3A : memref<!tpu.dma_semaphore, #tpu.memory_space<semaphore_mem>>) src(%dma_wait3A_142 : memref<320xi32, #tpu.memory_space<hbm>>) dst(%arg16 : memref<320xi32, #tpu.memory_space<vmem>>)
          tpu.yield
        }) : () -> ()
        %ge3A = arith.constant 1 : i32
        %ge3A_132 = arith.cmpi sge, %add3A_82, %ge3A : i32
        %convert_element_type3A_133 = arith.extui %ge3A_132 : i1 to i32
        %cond3A_134 = arith.constant 0 : i32
        %cond3A_135 = arith.cmpi ne, %convert_element_type3A_133, %cond3A_134 : i32
        scf.if %cond3A_135 {
          %dma_wait3A_139 = arith.constant 0 : i32
          %dma_wait3A_140 = tpu.memref_slice %arg10[%mul3A_2, %dma_wait3A_139] : memref<204800x64xf32, #tpu.memory_space<hbm>> -> memref<320x64xf32, #tpu.memory_space<hbm>>
          %dma_wait3A_141 = arith.constant 0 : i32
          %dma_wait3A_142 = tpu.memref_slice %arg10[%mul3A_2, %dma_wait3A_141] : memref<204800x64xf32, #tpu.memory_space<hbm>> -> memref<320x64xf32, #tpu.memory_space<hbm>>
          tpu.wait_dma2 semaphore(%arg28 : memref<!tpu.dma_semaphore, #tpu.memory_space<semaphore_mem>>) src(%arg19 : memref<320x64xf32, #tpu.memory_space<vmem>>) dst(%dma_wait3A_142 : memref<320x64xf32, #tpu.memory_space<hbm>>)
        } else {
        }
        %dma_start3A_136 = arith.constant 0 : i32
        %dma_start3A_137 = arith.constant 0 : i32
        %dma_start3A_138 = tpu.memref_slice %arg5[%dma_start3A_136, %dma_start3A_137] : memref<1000000x64xf32, #tpu.memory_space<hbm>> -> memref<1000000x64xf32, #tpu.memory_space<hbm>>
        tpu.enqueue_indirect_dma source(%dma_start3A_138 : memref<1000000x64xf32, #tpu.memory_space<hbm>>) target(%arg19 : memref<320x64xf32, #tpu.memory_space<vmem>>) offsets(%arg12 : memref<320xi32, #tpu.memory_space<vmem>>) semaphore(%arg26 : memref<!tpu.dma_semaphore, #tpu.memory_space<semaphore_mem>>)
      } else {
      }
      %dma_wait3A_90 = arith.constant 0 : i32
      %dma_wait3A_91 = arith.constant 0 : i32
      %dma_wait3A_92 = tpu.memref_slice %arg5[%dma_wait3A_90, %dma_wait3A_91] : memref<1000000x64xf32, #tpu.memory_space<hbm>> -> memref<1000000x64xf32, #tpu.memory_space<hbm>>
      tpu.wait_indirect_dma semaphore(%arg25 : memref<!tpu.dma_semaphore, #tpu.memory_space<semaphore_mem>>) src(%dma_wait3A_92 : memref<1000000x64xf32, #tpu.memory_space<hbm>>) dst(%arg18 : memref<320x64xf32, #tpu.memory_space<vmem>>)
      %parallel_loop3A_93 = arith.constant 0 : i32
      %parallel_loop3A_94 = arith.constant 20 : i32
      %parallel_loop3A_95 = arith.constant 1 : i32
      scf.for %parallel_loop3A_130 = %parallel_loop3A_93 to %parallel_loop3A_94 step %parallel_loop3A_95  : i32 {
        %parallel_loop3A_131 = arith.constant 16 : i32
        %parallel_loop3A_132 = arith.muli %parallel_loop3A_130, %parallel_loop3A_131 : i32
        %parallel_loop3A_133 = arith.index_cast %parallel_loop3A_132 : i32 to index
        %parallel_loop3A_134 = tpu.vector_load %arg13[%parallel_loop3A_133] {strides = array<i32>} : memref<320xi32, #tpu.memory_space<vmem>>, vector<16xi32>,
        %parallel_loop3A_135 = arith.constant 2 : i32
        %parallel_loop3A_136 = vector.broadcast %parallel_loop3A_135 : i32 to vector<16xi32>
        %parallel_loop3A_137 = arith.muli %parallel_loop3A_134, %parallel_loop3A_136 : vector<16xi32>
        %parallel_loop3A_138 = arith.index_cast %parallel_loop3A_132 : i32 to index
        %parallel_loop3A_139 = tpu.vector_load %arg15[%parallel_loop3A_138] {strides = array<i32>} : memref<320xi32, #tpu.memory_space<vmem>>, vector<16xi32>,
        %parallel_loop3A_140 = arith.addi %parallel_loop3A_137, %parallel_loop3A_139 : vector<16xi32>
        %parallel_loop3A_141 = arith.index_cast %parallel_loop3A_132 : i32 to index
        %parallel_loop3A_142 = tpu.vector_load %arg17[%parallel_loop3A_141] {strides = array<i32>} : memref<320xi32, #tpu.memory_space<vmem>>, vector<16xi32>,
        tpu.vector_store %arg17[%parallel_loop3A_141], %parallel_loop3A_140 {strides = array<i32>} : memref<320xi32, #tpu.memory_space<vmem>>, vector<16xi32>,
      } {sc.loop_unroll_factor = 1 : i64, sc.parallel_access}
      %parallel_loop3A_96 = arith.constant 0 : i32
      %parallel_loop3A_97 = arith.constant 320 : i32
      %parallel_loop3A_98 = arith.constant 1 : i32
      scf.for %parallel_loop3A_130 = %parallel_loop3A_96 to %parallel_loop3A_97 step %parallel_loop3A_98  : i32 {
        %parallel_loop3A_131 = vector.broadcast %parallel_loop3A_130 : i32 to vector<16xi32>
        %parallel_loop3A_132 = tpu.vector_load_idx %arg17[%parallel_loop3A_131] : memref<320xi32, #tpu.memory_space<vmem>>[vector<16xi32>], vector<16xi32>,
        %parallel_loop3A_133 = arith.index_cast %parallel_loop3A_130 : i32 to index
        %parallel_loop3A_134 = arith.constant 0 : index
        %parallel_loop3A_135 = tpu.vector_load %arg18[%parallel_loop3A_133, %parallel_loop3A_134] {strides = array<i32>} : memref<320x64xf32, #tpu.memory_space<vmem>>, vector<16xf32>,
        %parallel_loop3A_136 = arith.index_cast %parallel_loop3A_130 : i32 to index
        %parallel_loop3A_137 = arith.constant 16 : index
        %parallel_loop3A_138 = tpu.vector_load %arg18[%parallel_loop3A_136, %parallel_loop3A_137] {strides = array<i32>} : memref<320x64xf32, #tpu.memory_space<vmem>>, vector<16xf32>,
        %parallel_loop3A_139 = arith.index_cast %parallel_loop3A_130 : i32 to index
        %parallel_loop3A_140 = arith.constant 32 : index
        %parallel_loop3A_141 = tpu.vector_load %arg18[%parallel_loop3A_139, %parallel_loop3A_140] {strides = array<i32>} : memref<320x64xf32, #tpu.memory_space<vmem>>, vector<16xf32>,
        %parallel_loop3A_142 = arith.index_cast %parallel_loop3A_130 : i32 to index
        %parallel_loop3A_143 = arith.constant 48 : index
        %parallel_loop3A_144 = tpu.vector_load %arg18[%parallel_loop3A_142, %parallel_loop3A_143] {strides = array<i32>} : memref<320x64xf32, #tpu.memory_space<vmem>>, vector<16xf32>,
        %parallel_loop3A_145 = tpu.vector_load_idx %arg22[%parallel_loop3A_132, %add3A_5] : memref<400x64xf32, #tpu.memory_space<vmem>>[vector<16xi32>, vector<16xi32>], vector<16xf32>,
        %parallel_loop3A_146 = tpu.vector_load_idx %arg22[%parallel_loop3A_132, %add3A_8] : memref<400x64xf32, #tpu.memory_space<vmem>>[vector<16xi32>, vector<16xi32>], vector<16xf32>,
        %parallel_loop3A_147 = tpu.vector_load_idx %arg22[%parallel_loop3A_132, %add3A_11] : memref<400x64xf32, #tpu.memory_space<vmem>>[vector<16xi32>, vector<16xi32>], vector<16xf32>,
        %parallel_loop3A_148 = tpu.vector_load_idx %arg22[%parallel_loop3A_132, %add3A_14] : memref<400x64xf32, #tpu.memory_space<vmem>>[vector<16xi32>, vector<16xi32>], vector<16xf32>,
        %parallel_loop3A_149 = arith.addf %parallel_loop3A_135, %parallel_loop3A_145 : vector<16xf32>
        %parallel_loop3A_150 = arith.addf %parallel_loop3A_138, %parallel_loop3A_146 : vector<16xf32>
        %parallel_loop3A_151 = arith.addf %parallel_loop3A_141, %parallel_loop3A_147 : vector<16xf32>
        %parallel_loop3A_152 = arith.addf %parallel_loop3A_144, %parallel_loop3A_148 : vector<16xf32>
        %parallel_loop3A_153 = arith.mulf %parallel_loop3A_149, %parallel_loop3A_149 : vector<16xf32>
        %parallel_loop3A_154 = arith.mulf %parallel_loop3A_150, %parallel_loop3A_150 : vector<16xf32>
        %parallel_loop3A_155 = arith.mulf %parallel_loop3A_151, %parallel_loop3A_151 : vector<16xf32>
        %parallel_loop3A_156 = arith.mulf %parallel_loop3A_152, %parallel_loop3A_152 : vector<16xf32>
        %parallel_loop3A_157 = arith.addf %parallel_loop3A_149, %parallel_loop3A_150 : vector<16xf32>
        %parallel_loop3A_158 = arith.addf %parallel_loop3A_151, %parallel_loop3A_152 : vector<16xf32>
        %parallel_loop3A_159 = arith.addf %parallel_loop3A_157, %parallel_loop3A_158 : vector<16xf32>
        %parallel_loop3A_160 = arith.constant true
        %parallel_loop3A_161 = vector.broadcast %parallel_loop3A_160 : i1 to vector<16xi1>
        %parallel_loop3A_162 = tpu.scan <sum>, %parallel_loop3A_159 masked %parallel_loop3A_161 : vector<16xf32>, vector<16xi1> -> vector<16xf32>
        %parallel_loop3A_163 = vector.extract %parallel_loop3A_162[15] : f32 from vector<16xf32>
        %parallel_loop3A_164 = arith.addf %parallel_loop3A_153, %parallel_loop3A_154 : vector<16xf32>
        %parallel_loop3A_165 = arith.addf %parallel_loop3A_155, %parallel_loop3A_156 : vector<16xf32>
        %parallel_loop3A_166 = arith.addf %parallel_loop3A_164, %parallel_loop3A_165 : vector<16xf32>
        %parallel_loop3A_167 = arith.constant true
        %parallel_loop3A_168 = vector.broadcast %parallel_loop3A_167 : i1 to vector<16xi1>
        %parallel_loop3A_169 = tpu.scan <sum>, %parallel_loop3A_166 masked %parallel_loop3A_168 : vector<16xf32>, vector<16xi1> -> vector<16xf32>
        %parallel_loop3A_170 = vector.extract %parallel_loop3A_169[15] : f32 from vector<16xf32>
        %parallel_loop3A_171 = vector.broadcast %parallel_loop3A_163 : f32 to vector<16xf32>
        %parallel_loop3A_172 = arith.constant 1.562500e-02 : f32
        %parallel_loop3A_173 = vector.broadcast %parallel_loop3A_172 : f32 to vector<16xf32>
        %parallel_loop3A_174 = arith.mulf %parallel_loop3A_171, %parallel_loop3A_173 : vector<16xf32>
        %parallel_loop3A_175 = vector.broadcast %parallel_loop3A_170 : f32 to vector<16xf32>
        %parallel_loop3A_176 = arith.constant 1.562500e-02 : f32
        %parallel_loop3A_177 = vector.broadcast %parallel_loop3A_176 : f32 to vector<16xf32>
        %parallel_loop3A_178 = arith.mulf %parallel_loop3A_175, %parallel_loop3A_177 : vector<16xf32>
        %parallel_loop3A_179 = arith.mulf %parallel_loop3A_174, %parallel_loop3A_174 : vector<16xf32>
        %parallel_loop3A_180 = arith.subf %parallel_loop3A_178, %parallel_loop3A_179 : vector<16xf32>
        %parallel_loop3A_181 = arith.constant 9.99999974E-6 : f32
        %parallel_loop3A_182 = vector.broadcast %parallel_loop3A_181 : f32 to vector<16xf32>
        %parallel_loop3A_183 = arith.addf %parallel_loop3A_180, %parallel_loop3A_182 : vector<16xf32>
        %parallel_loop3A_184 = vector.bitcast %parallel_loop3A_183 : vector<16xf32> to vector<16xi32>
        %parallel_loop3A_185 = arith.constant 1 : i32
        %parallel_loop3A_186 = vector.broadcast %parallel_loop3A_185 : i32 to vector<16xi32>
        %parallel_loop3A_187 = arith.shrsi %parallel_loop3A_184, %parallel_loop3A_186 : vector<16xi32>
        %parallel_loop3A_188 = arith.constant 1597463007 : i32
        %parallel_loop3A_189 = vector.broadcast %parallel_loop3A_188 : i32 to vector<16xi32>
        %parallel_loop3A_190 = arith.subi %parallel_loop3A_189, %parallel_loop3A_187 : vector<16xi32>
        %parallel_loop3A_191 = vector.bitcast %parallel_loop3A_190 : vector<16xi32> to vector<16xf32>
        %parallel_loop3A_192 = arith.constant 5.000000e-01 : f32
        %parallel_loop3A_193 = vector.broadcast %parallel_loop3A_192 : f32 to vector<16xf32>
        %parallel_loop3A_194 = arith.mulf %parallel_loop3A_193, %parallel_loop3A_183 : vector<16xf32>
        %parallel_loop3A_195 = arith.mulf %parallel_loop3A_194, %parallel_loop3A_191 : vector<16xf32>
        %parallel_loop3A_196 = arith.mulf %parallel_loop3A_195, %parallel_loop3A_191 : vector<16xf32>
        %parallel_loop3A_197 = arith.constant 1.500000e+00 : f32
        %parallel_loop3A_198 = vector.broadcast %parallel_loop3A_197 : f32 to vector<16xf32>
        %parallel_loop3A_199 = arith.subf %parallel_loop3A_198, %parallel_loop3A_196 : vector<16xf32>
        %parallel_loop3A_200 = arith.mulf %parallel_loop3A_191, %parallel_loop3A_199 : vector<16xf32>
        %parallel_loop3A_201 = arith.constant 5.000000e-01 : f32
        %parallel_loop3A_202 = vector.broadcast %parallel_loop3A_201 : f32 to vector<16xf32>
        %parallel_loop3A_203 = arith.mulf %parallel_loop3A_202, %parallel_loop3A_183 : vector<16xf32>
        %parallel_loop3A_204 = arith.mulf %parallel_loop3A_203, %parallel_loop3A_200 : vector<16xf32>
        %parallel_loop3A_205 = arith.mulf %parallel_loop3A_204, %parallel_loop3A_200 : vector<16xf32>
        %parallel_loop3A_206 = arith.constant 1.500000e+00 : f32
        %parallel_loop3A_207 = vector.broadcast %parallel_loop3A_206 : f32 to vector<16xf32>
        %parallel_loop3A_208 = arith.subf %parallel_loop3A_207, %parallel_loop3A_205 : vector<16xf32>
        %parallel_loop3A_209 = arith.mulf %parallel_loop3A_200, %parallel_loop3A_208 : vector<16xf32>
        %parallel_loop3A_210 = arith.mulf %parallel_loop3A_174, %parallel_loop3A_209 : vector<16xf32>
        %parallel_loop3A_211 = arith.constant 0.000000e+00 : f32
        %parallel_loop3A_212 = vector.broadcast %parallel_loop3A_211 : f32 to vector<16xf32>
        %parallel_loop3A_213 = arith.subf %parallel_loop3A_212, %parallel_loop3A_210 : vector<16xf32>
        %parallel_loop3A_214 = arith.mulf %parallel_loop3A_149, %parallel_loop3A_209 : vector<16xf32>
        %parallel_loop3A_215 = arith.addf %parallel_loop3A_214, %parallel_loop3A_213 : vector<16xf32>
        %parallel_loop3A_216 = arith.mulf %parallel_loop3A_215, %get3A_49 : vector<16xf32>
        %parallel_loop3A_217 = arith.addf %parallel_loop3A_216, %get3A_57 : vector<16xf32>
        %parallel_loop3A_218 = arith.index_cast %parallel_loop3A_130 : i32 to index
        %parallel_loop3A_219 = arith.constant 0 : index
        %parallel_loop3A_220 = tpu.vector_load %arg18[%parallel_loop3A_218, %parallel_loop3A_219] {strides = array<i32>} : memref<320x64xf32, #tpu.memory_space<vmem>>, vector<16xf32>,
        tpu.vector_store %arg18[%parallel_loop3A_218, %parallel_loop3A_219], %parallel_loop3A_217 {strides = array<i32>} : memref<320x64xf32, #tpu.memory_space<vmem>>, vector<16xf32>,
        %parallel_loop3A_221 = arith.mulf %parallel_loop3A_150, %parallel_loop3A_209 : vector<16xf32>
        %parallel_loop3A_222 = arith.addf %parallel_loop3A_221, %parallel_loop3A_213 : vector<16xf32>
        %parallel_loop3A_223 = arith.mulf %parallel_loop3A_222, %get3A_51 : vector<16xf32>
        %parallel_loop3A_224 = arith.addf %parallel_loop3A_223, %get3A_59 : vector<16xf32>
        %parallel_loop3A_225 = arith.index_cast %parallel_loop3A_130 : i32 to index
        %parallel_loop3A_226 = arith.constant 16 : index
        %parallel_loop3A_227 = tpu.vector_load %arg18[%parallel_loop3A_225, %parallel_loop3A_226] {strides = array<i32>} : memref<320x64xf32, #tpu.memory_space<vmem>>, vector<16xf32>,
        tpu.vector_store %arg18[%parallel_loop3A_225, %parallel_loop3A_226], %parallel_loop3A_224 {strides = array<i32>} : memref<320x64xf32, #tpu.memory_space<vmem>>, vector<16xf32>,
        %parallel_loop3A_228 = arith.mulf %parallel_loop3A_151, %parallel_loop3A_209 : vector<16xf32>
        %parallel_loop3A_229 = arith.addf %parallel_loop3A_228, %parallel_loop3A_213 : vector<16xf32>
        %parallel_loop3A_230 = arith.mulf %parallel_loop3A_229, %get3A_53 : vector<16xf32>
        %parallel_loop3A_231 = arith.addf %parallel_loop3A_230, %get3A_61 : vector<16xf32>
        %parallel_loop3A_232 = arith.index_cast %parallel_loop3A_130 : i32 to index
        %parallel_loop3A_233 = arith.constant 32 : index
        %parallel_loop3A_234 = tpu.vector_load %arg18[%parallel_loop3A_232, %parallel_loop3A_233] {strides = array<i32>} : memref<320x64xf32, #tpu.memory_space<vmem>>, vector<16xf32>,
        tpu.vector_store %arg18[%parallel_loop3A_232, %parallel_loop3A_233], %parallel_loop3A_231 {strides = array<i32>} : memref<320x64xf32, #tpu.memory_space<vmem>>, vector<16xf32>,
        %parallel_loop3A_235 = arith.mulf %parallel_loop3A_152, %parallel_loop3A_209 : vector<16xf32>
        %parallel_loop3A_236 = arith.addf %parallel_loop3A_235, %parallel_loop3A_213 : vector<16xf32>
        %parallel_loop3A_237 = arith.mulf %parallel_loop3A_236, %get3A_55 : vector<16xf32>
        %parallel_loop3A_238 = arith.addf %parallel_loop3A_237, %get3A_63 : vector<16xf32>
        %parallel_loop3A_239 = arith.index_cast %parallel_loop3A_130 : i32 to index
        %parallel_loop3A_240 = arith.constant 48 : index
        %parallel_loop3A_241 = tpu.vector_load %arg18[%parallel_loop3A_239, %parallel_loop3A_240] {strides = array<i32>} : memref<320x64xf32, #tpu.memory_space<vmem>>, vector<16xf32>,
        tpu.vector_store %arg18[%parallel_loop3A_239, %parallel_loop3A_240], %parallel_loop3A_238 {strides = array<i32>} : memref<320x64xf32, #tpu.memory_space<vmem>>, vector<16xf32>,
      } {sc.loop_unroll_factor = 4 : i64, sc.parallel_access}
      %dma_start3A_99 = arith.constant 0 : i32
      %dma_start3A_100 = tpu.memref_slice %arg10[%add3A_85, %dma_start3A_99] : memref<204800x64xf32, #tpu.memory_space<hbm>> -> memref<320x64xf32, #tpu.memory_space<hbm>>
      %dma_start3A_101 = arith.constant 0 : i32
      %dma_start3A_102 = tpu.memref_slice %arg10[%add3A_85, %dma_start3A_101] : memref<204800x64xf32, #tpu.memory_space<hbm>> -> memref<320x64xf32, #tpu.memory_space<hbm>>
      tpu.enqueue_dma source(%arg18 : memref<320x64xf32, #tpu.memory_space<vmem>>) target(%dma_start3A_102 : memref<320x64xf32, #tpu.memory_space<hbm>>) target_semaphore(%arg27 : memref<!tpu.dma_semaphore, #tpu.memory_space<semaphore_mem>>)
      %mul3A_103 = arith.constant 2 : i32
      %mul3A_104 = arith.muli %mul3A_103, %scan3A_78 : i32
      %add3A_105 = arith.constant 1 : i32
      %add3A_106 = arith.addi %mul3A_104, %add3A_105 : i32
      %mul3A_107 = arith.constant 320 : i32
      %mul3A_108 = arith.muli %add3A_106, %mul3A_107 : i32
      %add3A_109 = arith.addi %mul3A_2, %mul3A_108 : i32
      %add3A_110 = arith.constant 1 : i32
      %add3A_111 = arith.addi %add3A_106, %add3A_110 : i32
      %lt3A_112 = arith.constant 20 : i32
      %lt3A_113 = arith.cmpi slt, %add3A_111, %lt3A_112 : i32
      %convert_element_type3A_114 = arith.extui %lt3A_113 : i1 to i32
      %cond3A_115 = arith.constant 0 : i32
      %cond3A_116 = arith.cmpi ne, %convert_element_type3A_114, %cond3A_115 : i32
      scf.if %cond3A_116 {
        %add3A_130 = arith.constant 320 : i32
        %add3A_131 = arith.addi %add3A_109, %add3A_130 : i32
        "tpu.region"() ({
          %run_scoped3A = tpu.sem_alloc : memref<!tpu.dma_semaphore, #tpu.memory_space<semaphore_mem>>
          %dma_start3A_139 = tpu.memref_slice %arg2[%add3A_131] : memref<204800xi32, #tpu.memory_space<hbm>> -> memref<320xi32, #tpu.memory_space<hbm>>
          %dma_start3A_140 = tpu.memref_slice %arg2[%add3A_131] : memref<204800xi32, #tpu.memory_space<hbm>> -> memref<320xi32, #tpu.memory_space<hbm>>
          tpu.enqueue_dma source(%dma_start3A_140 : memref<320xi32, #tpu.memory_space<hbm>>) target(%arg11 : memref<320xi32, #tpu.memory_space<vmem>>) target_semaphore(%run_scoped3A : memref<!tpu.dma_semaphore, #tpu.memory_space<semaphore_mem>>)
          %dma_wait3A_141 = tpu.memref_slice %arg2[%add3A_131] : memref<204800xi32, #tpu.memory_space<hbm>> -> memref<320xi32, #tpu.memory_space<hbm>>
          %dma_wait3A_142 = tpu.memref_slice %arg2[%add3A_131] : memref<204800xi32, #tpu.memory_space<hbm>> -> memref<320xi32, #tpu.memory_space<hbm>>
          tpu.wait_dma2 semaphore(%run_scoped3A : memref<!tpu.dma_semaphore, #tpu.memory_space<semaphore_mem>>) src(%dma_wait3A_142 : memref<320xi32, #tpu.memory_space<hbm>>) dst(%arg11 : memref<320xi32, #tpu.memory_space<vmem>>)
          tpu.yield
        }) : () -> ()
        "tpu.region"() ({
          %run_scoped3A = tpu.sem_alloc : memref<!tpu.dma_semaphore, #tpu.memory_space<semaphore_mem>>
          %dma_start3A_139 = tpu.memref_slice %arg3[%add3A_131] : memref<204800xi32, #tpu.memory_space<hbm>> -> memref<320xi32, #tpu.memory_space<hbm>>
          %dma_start3A_140 = tpu.memref_slice %arg3[%add3A_131] : memref<204800xi32, #tpu.memory_space<hbm>> -> memref<320xi32, #tpu.memory_space<hbm>>
          tpu.enqueue_dma source(%dma_start3A_140 : memref<320xi32, #tpu.memory_space<hbm>>) target(%arg13 : memref<320xi32, #tpu.memory_space<vmem>>) target_semaphore(%run_scoped3A : memref<!tpu.dma_semaphore, #tpu.memory_space<semaphore_mem>>)
          %dma_wait3A_141 = tpu.memref_slice %arg3[%add3A_131] : memref<204800xi32, #tpu.memory_space<hbm>> -> memref<320xi32, #tpu.memory_space<hbm>>
          %dma_wait3A_142 = tpu.memref_slice %arg3[%add3A_131] : memref<204800xi32, #tpu.memory_space<hbm>> -> memref<320xi32, #tpu.memory_space<hbm>>
          tpu.wait_dma2 semaphore(%run_scoped3A : memref<!tpu.dma_semaphore, #tpu.memory_space<semaphore_mem>>) src(%dma_wait3A_142 : memref<320xi32, #tpu.memory_space<hbm>>) dst(%arg13 : memref<320xi32, #tpu.memory_space<vmem>>)
          tpu.yield
        }) : () -> ()
        "tpu.region"() ({
          %run_scoped3A = tpu.sem_alloc : memref<!tpu.dma_semaphore, #tpu.memory_space<semaphore_mem>>
          %dma_start3A_139 = tpu.memref_slice %arg4[%add3A_131] : memref<204800xi32, #tpu.memory_space<hbm>> -> memref<320xi32, #tpu.memory_space<hbm>>
          %dma_start3A_140 = tpu.memref_slice %arg4[%add3A_131] : memref<204800xi32, #tpu.memory_space<hbm>> -> memref<320xi32, #tpu.memory_space<hbm>>
          tpu.enqueue_dma source(%dma_start3A_140 : memref<320xi32, #tpu.memory_space<hbm>>) target(%arg15 : memref<320xi32, #tpu.memory_space<vmem>>) target_semaphore(%run_scoped3A : memref<!tpu.dma_semaphore, #tpu.memory_space<semaphore_mem>>)
          %dma_wait3A_141 = tpu.memref_slice %arg4[%add3A_131] : memref<204800xi32, #tpu.memory_space<hbm>> -> memref<320xi32, #tpu.memory_space<hbm>>
          %dma_wait3A_142 = tpu.memref_slice %arg4[%add3A_131] : memref<204800xi32, #tpu.memory_space<hbm>> -> memref<320xi32, #tpu.memory_space<hbm>>
          tpu.wait_dma2 semaphore(%run_scoped3A : memref<!tpu.dma_semaphore, #tpu.memory_space<semaphore_mem>>) src(%dma_wait3A_142 : memref<320xi32, #tpu.memory_space<hbm>>) dst(%arg15 : memref<320xi32, #tpu.memory_space<vmem>>)
          tpu.yield
        }) : () -> ()
        %ge3A = arith.constant 1 : i32
        %ge3A_132 = arith.cmpi sge, %add3A_106, %ge3A : i32
        %convert_element_type3A_133 = arith.extui %ge3A_132 : i1 to i32
        %cond3A_134 = arith.constant 0 : i32
        %cond3A_135 = arith.cmpi ne, %convert_element_type3A_133, %cond3A_134 : i32
        scf.if %cond3A_135 {
          %dma_wait3A_139 = arith.constant 0 : i32
          %dma_wait3A_140 = tpu.memref_slice %arg10[%mul3A_2, %dma_wait3A_139] : memref<204800x64xf32, #tpu.memory_space<hbm>> -> memref<320x64xf32, #tpu.memory_space<hbm>>
          %dma_wait3A_141 = arith.constant 0 : i32
          %dma_wait3A_142 = tpu.memref_slice %arg10[%mul3A_2, %dma_wait3A_141] : memref<204800x64xf32, #tpu.memory_space<hbm>> -> memref<320x64xf32, #tpu.memory_space<hbm>>
          tpu.wait_dma2 semaphore(%arg27 : memref<!tpu.dma_semaphore, #tpu.memory_space<semaphore_mem>>) src(%arg18 : memref<320x64xf32, #tpu.memory_space<vmem>>) dst(%dma_wait3A_142 : memref<320x64xf32, #tpu.memory_space<hbm>>)
        } else {
        }
        %dma_start3A_136 = arith.constant 0 : i32
        %dma_start3A_137 = arith.constant 0 : i32
        %dma_start3A_138 = tpu.memref_slice %arg5[%dma_start3A_136, %dma_start3A_137] : memref<1000000x64xf32, #tpu.memory_space<hbm>> -> memref<1000000x64xf32, #tpu.memory_space<hbm>>
        tpu.enqueue_indirect_dma source(%dma_start3A_138 : memref<1000000x64xf32, #tpu.memory_space<hbm>>) target(%arg18 : memref<320x64xf32, #tpu.memory_space<vmem>>) offsets(%arg11 : memref<320xi32, #tpu.memory_space<vmem>>) semaphore(%arg25 : memref<!tpu.dma_semaphore, #tpu.memory_space<semaphore_mem>>)
      } else {
      }
      %dma_wait3A_117 = arith.constant 0 : i32
      %dma_wait3A_118 = arith.constant 0 : i32
      %dma_wait3A_119 = tpu.memref_slice %arg5[%dma_wait3A_117, %dma_wait3A_118] : memref<1000000x64xf32, #tpu.memory_space<hbm>> -> memref<1000000x64xf32, #tpu.memory_space<hbm>>
      tpu.wait_indirect_dma semaphore(%arg26 : memref<!tpu.dma_semaphore, #tpu.memory_space<semaphore_mem>>) src(%dma_wait3A_119 : memref<1000000x64xf32, #tpu.memory_space<hbm>>) dst(%arg19 : memref<320x64xf32, #tpu.memory_space<vmem>>)
      %parallel_loop3A_120 = arith.constant 0 : i32
      %parallel_loop3A_121 = arith.constant 20 : i32
      %parallel_loop3A_122 = arith.constant 1 : i32
      scf.for %parallel_loop3A_130 = %parallel_loop3A_120 to %parallel_loop3A_121 step %parallel_loop3A_122  : i32 {
        %parallel_loop3A_131 = arith.constant 16 : i32
        %parallel_loop3A_132 = arith.muli %parallel_loop3A_130, %parallel_loop3A_131 : i32
        %parallel_loop3A_133 = arith.index_cast %parallel_loop3A_132 : i32 to index
        %parallel_loop3A_134 = tpu.vector_load %arg14[%parallel_loop3A_133] {strides = array<i32>} : memref<320xi32, #tpu.memory_space<vmem>>, vector<16xi32>,
        %parallel_loop3A_135 = arith.constant 2 : i32
        %parallel_loop3A_136 = vector.broadcast %parallel_loop3A_135 : i32 to vector<16xi32>
        %parallel_loop3A_137 = arith.muli %parallel_loop3A_134, %parallel_loop3A_136 : vector<16xi32>
        %parallel_loop3A_138 = arith.index_cast %parallel_loop3A_132 : i32 to index
        %parallel_loop3A_139 = tpu.vector_load %arg16[%parallel_loop3A_138] {strides = array<i32>} : memref<320xi32, #tpu.memory_space<vmem>>, vector<16xi32>,
        %parallel_loop3A_140 = arith.addi %parallel_loop3A_137, %parallel_loop3A_139 : vector<16xi32>
        %parallel_loop3A_141 = arith.index_cast %parallel_loop3A_132 : i32 to index
        %parallel_loop3A_142 = tpu.vector_load %arg17[%parallel_loop3A_141] {strides = array<i32>} : memref<320xi32, #tpu.memory_space<vmem>>, vector<16xi32>,
        tpu.vector_store %arg17[%parallel_loop3A_141], %parallel_loop3A_140 {strides = array<i32>} : memref<320xi32, #tpu.memory_space<vmem>>, vector<16xi32>,
      } {sc.loop_unroll_factor = 1 : i64, sc.parallel_access}
      %parallel_loop3A_123 = arith.constant 0 : i32
      %parallel_loop3A_124 = arith.constant 320 : i32
      %parallel_loop3A_125 = arith.constant 1 : i32
      scf.for %parallel_loop3A_130 = %parallel_loop3A_123 to %parallel_loop3A_124 step %parallel_loop3A_125  : i32 {
        %parallel_loop3A_131 = vector.broadcast %parallel_loop3A_130 : i32 to vector<16xi32>
        %parallel_loop3A_132 = tpu.vector_load_idx %arg17[%parallel_loop3A_131] : memref<320xi32, #tpu.memory_space<vmem>>[vector<16xi32>], vector<16xi32>,
        %parallel_loop3A_133 = arith.index_cast %parallel_loop3A_130 : i32 to index
        %parallel_loop3A_134 = arith.constant 0 : index
        %parallel_loop3A_135 = tpu.vector_load %arg19[%parallel_loop3A_133, %parallel_loop3A_134] {strides = array<i32>} : memref<320x64xf32, #tpu.memory_space<vmem>>, vector<16xf32>,
        %parallel_loop3A_136 = arith.index_cast %parallel_loop3A_130 : i32 to index
        %parallel_loop3A_137 = arith.constant 16 : index
        %parallel_loop3A_138 = tpu.vector_load %arg19[%parallel_loop3A_136, %parallel_loop3A_137] {strides = array<i32>} : memref<320x64xf32, #tpu.memory_space<vmem>>, vector<16xf32>,
        %parallel_loop3A_139 = arith.index_cast %parallel_loop3A_130 : i32 to index
        %parallel_loop3A_140 = arith.constant 32 : index
        %parallel_loop3A_141 = tpu.vector_load %arg19[%parallel_loop3A_139, %parallel_loop3A_140] {strides = array<i32>} : memref<320x64xf32, #tpu.memory_space<vmem>>, vector<16xf32>,
        %parallel_loop3A_142 = arith.index_cast %parallel_loop3A_130 : i32 to index
        %parallel_loop3A_143 = arith.constant 48 : index
        %parallel_loop3A_144 = tpu.vector_load %arg19[%parallel_loop3A_142, %parallel_loop3A_143] {strides = array<i32>} : memref<320x64xf32, #tpu.memory_space<vmem>>, vector<16xf32>,
        %parallel_loop3A_145 = tpu.vector_load_idx %arg22[%parallel_loop3A_132, %add3A_5] : memref<400x64xf32, #tpu.memory_space<vmem>>[vector<16xi32>, vector<16xi32>], vector<16xf32>,
        %parallel_loop3A_146 = tpu.vector_load_idx %arg22[%parallel_loop3A_132, %add3A_8] : memref<400x64xf32, #tpu.memory_space<vmem>>[vector<16xi32>, vector<16xi32>], vector<16xf32>,
        %parallel_loop3A_147 = tpu.vector_load_idx %arg22[%parallel_loop3A_132, %add3A_11] : memref<400x64xf32, #tpu.memory_space<vmem>>[vector<16xi32>, vector<16xi32>], vector<16xf32>,
        %parallel_loop3A_148 = tpu.vector_load_idx %arg22[%parallel_loop3A_132, %add3A_14] : memref<400x64xf32, #tpu.memory_space<vmem>>[vector<16xi32>, vector<16xi32>], vector<16xf32>,
        %parallel_loop3A_149 = arith.addf %parallel_loop3A_135, %parallel_loop3A_145 : vector<16xf32>
        %parallel_loop3A_150 = arith.addf %parallel_loop3A_138, %parallel_loop3A_146 : vector<16xf32>
        %parallel_loop3A_151 = arith.addf %parallel_loop3A_141, %parallel_loop3A_147 : vector<16xf32>
        %parallel_loop3A_152 = arith.addf %parallel_loop3A_144, %parallel_loop3A_148 : vector<16xf32>
        %parallel_loop3A_153 = arith.mulf %parallel_loop3A_149, %parallel_loop3A_149 : vector<16xf32>
        %parallel_loop3A_154 = arith.mulf %parallel_loop3A_150, %parallel_loop3A_150 : vector<16xf32>
        %parallel_loop3A_155 = arith.mulf %parallel_loop3A_151, %parallel_loop3A_151 : vector<16xf32>
        %parallel_loop3A_156 = arith.mulf %parallel_loop3A_152, %parallel_loop3A_152 : vector<16xf32>
        %parallel_loop3A_157 = arith.addf %parallel_loop3A_149, %parallel_loop3A_150 : vector<16xf32>
        %parallel_loop3A_158 = arith.addf %parallel_loop3A_151, %parallel_loop3A_152 : vector<16xf32>
        %parallel_loop3A_159 = arith.addf %parallel_loop3A_157, %parallel_loop3A_158 : vector<16xf32>
        %parallel_loop3A_160 = arith.constant true
        %parallel_loop3A_161 = vector.broadcast %parallel_loop3A_160 : i1 to vector<16xi1>
        %parallel_loop3A_162 = tpu.scan <sum>, %parallel_loop3A_159 masked %parallel_loop3A_161 : vector<16xf32>, vector<16xi1> -> vector<16xf32>
        %parallel_loop3A_163 = vector.extract %parallel_loop3A_162[15] : f32 from vector<16xf32>
        %parallel_loop3A_164 = arith.addf %parallel_loop3A_153, %parallel_loop3A_154 : vector<16xf32>
        %parallel_loop3A_165 = arith.addf %parallel_loop3A_155, %parallel_loop3A_156 : vector<16xf32>
        %parallel_loop3A_166 = arith.addf %parallel_loop3A_164, %parallel_loop3A_165 : vector<16xf32>
        %parallel_loop3A_167 = arith.constant true
        %parallel_loop3A_168 = vector.broadcast %parallel_loop3A_167 : i1 to vector<16xi1>
        %parallel_loop3A_169 = tpu.scan <sum>, %parallel_loop3A_166 masked %parallel_loop3A_168 : vector<16xf32>, vector<16xi1> -> vector<16xf32>
        %parallel_loop3A_170 = vector.extract %parallel_loop3A_169[15] : f32 from vector<16xf32>
        %parallel_loop3A_171 = vector.broadcast %parallel_loop3A_163 : f32 to vector<16xf32>
        %parallel_loop3A_172 = arith.constant 1.562500e-02 : f32
        %parallel_loop3A_173 = vector.broadcast %parallel_loop3A_172 : f32 to vector<16xf32>
        %parallel_loop3A_174 = arith.mulf %parallel_loop3A_171, %parallel_loop3A_173 : vector<16xf32>
        %parallel_loop3A_175 = vector.broadcast %parallel_loop3A_170 : f32 to vector<16xf32>
        %parallel_loop3A_176 = arith.constant 1.562500e-02 : f32
        %parallel_loop3A_177 = vector.broadcast %parallel_loop3A_176 : f32 to vector<16xf32>
        %parallel_loop3A_178 = arith.mulf %parallel_loop3A_175, %parallel_loop3A_177 : vector<16xf32>
        %parallel_loop3A_179 = arith.mulf %parallel_loop3A_174, %parallel_loop3A_174 : vector<16xf32>
        %parallel_loop3A_180 = arith.subf %parallel_loop3A_178, %parallel_loop3A_179 : vector<16xf32>
        %parallel_loop3A_181 = arith.constant 9.99999974E-6 : f32
        %parallel_loop3A_182 = vector.broadcast %parallel_loop3A_181 : f32 to vector<16xf32>
        %parallel_loop3A_183 = arith.addf %parallel_loop3A_180, %parallel_loop3A_182 : vector<16xf32>
        %parallel_loop3A_184 = vector.bitcast %parallel_loop3A_183 : vector<16xf32> to vector<16xi32>
        %parallel_loop3A_185 = arith.constant 1 : i32
        %parallel_loop3A_186 = vector.broadcast %parallel_loop3A_185 : i32 to vector<16xi32>
        %parallel_loop3A_187 = arith.shrsi %parallel_loop3A_184, %parallel_loop3A_186 : vector<16xi32>
        %parallel_loop3A_188 = arith.constant 1597463007 : i32
        %parallel_loop3A_189 = vector.broadcast %parallel_loop3A_188 : i32 to vector<16xi32>
        %parallel_loop3A_190 = arith.subi %parallel_loop3A_189, %parallel_loop3A_187 : vector<16xi32>
        %parallel_loop3A_191 = vector.bitcast %parallel_loop3A_190 : vector<16xi32> to vector<16xf32>
        %parallel_loop3A_192 = arith.constant 5.000000e-01 : f32
        %parallel_loop3A_193 = vector.broadcast %parallel_loop3A_192 : f32 to vector<16xf32>
        %parallel_loop3A_194 = arith.mulf %parallel_loop3A_193, %parallel_loop3A_183 : vector<16xf32>
        %parallel_loop3A_195 = arith.mulf %parallel_loop3A_194, %parallel_loop3A_191 : vector<16xf32>
        %parallel_loop3A_196 = arith.mulf %parallel_loop3A_195, %parallel_loop3A_191 : vector<16xf32>
        %parallel_loop3A_197 = arith.constant 1.500000e+00 : f32
        %parallel_loop3A_198 = vector.broadcast %parallel_loop3A_197 : f32 to vector<16xf32>
        %parallel_loop3A_199 = arith.subf %parallel_loop3A_198, %parallel_loop3A_196 : vector<16xf32>
        %parallel_loop3A_200 = arith.mulf %parallel_loop3A_191, %parallel_loop3A_199 : vector<16xf32>
        %parallel_loop3A_201 = arith.constant 5.000000e-01 : f32
        %parallel_loop3A_202 = vector.broadcast %parallel_loop3A_201 : f32 to vector<16xf32>
        %parallel_loop3A_203 = arith.mulf %parallel_loop3A_202, %parallel_loop3A_183 : vector<16xf32>
        %parallel_loop3A_204 = arith.mulf %parallel_loop3A_203, %parallel_loop3A_200 : vector<16xf32>
        %parallel_loop3A_205 = arith.mulf %parallel_loop3A_204, %parallel_loop3A_200 : vector<16xf32>
        %parallel_loop3A_206 = arith.constant 1.500000e+00 : f32
        %parallel_loop3A_207 = vector.broadcast %parallel_loop3A_206 : f32 to vector<16xf32>
        %parallel_loop3A_208 = arith.subf %parallel_loop3A_207, %parallel_loop3A_205 : vector<16xf32>
        %parallel_loop3A_209 = arith.mulf %parallel_loop3A_200, %parallel_loop3A_208 : vector<16xf32>
        %parallel_loop3A_210 = arith.mulf %parallel_loop3A_174, %parallel_loop3A_209 : vector<16xf32>
        %parallel_loop3A_211 = arith.constant 0.000000e+00 : f32
        %parallel_loop3A_212 = vector.broadcast %parallel_loop3A_211 : f32 to vector<16xf32>
        %parallel_loop3A_213 = arith.subf %parallel_loop3A_212, %parallel_loop3A_210 : vector<16xf32>
        %parallel_loop3A_214 = arith.mulf %parallel_loop3A_149, %parallel_loop3A_209 : vector<16xf32>
        %parallel_loop3A_215 = arith.addf %parallel_loop3A_214, %parallel_loop3A_213 : vector<16xf32>
        %parallel_loop3A_216 = arith.mulf %parallel_loop3A_215, %get3A_49 : vector<16xf32>
        %parallel_loop3A_217 = arith.addf %parallel_loop3A_216, %get3A_57 : vector<16xf32>
        %parallel_loop3A_218 = arith.index_cast %parallel_loop3A_130 : i32 to index
        %parallel_loop3A_219 = arith.constant 0 : index
        %parallel_loop3A_220 = tpu.vector_load %arg19[%parallel_loop3A_218, %parallel_loop3A_219] {strides = array<i32>} : memref<320x64xf32, #tpu.memory_space<vmem>>, vector<16xf32>,
        tpu.vector_store %arg19[%parallel_loop3A_218, %parallel_loop3A_219], %parallel_loop3A_217 {strides = array<i32>} : memref<320x64xf32, #tpu.memory_space<vmem>>, vector<16xf32>,
        %parallel_loop3A_221 = arith.mulf %parallel_loop3A_150, %parallel_loop3A_209 : vector<16xf32>
        %parallel_loop3A_222 = arith.addf %parallel_loop3A_221, %parallel_loop3A_213 : vector<16xf32>
        %parallel_loop3A_223 = arith.mulf %parallel_loop3A_222, %get3A_51 : vector<16xf32>
        %parallel_loop3A_224 = arith.addf %parallel_loop3A_223, %get3A_59 : vector<16xf32>
        %parallel_loop3A_225 = arith.index_cast %parallel_loop3A_130 : i32 to index
        %parallel_loop3A_226 = arith.constant 16 : index
        %parallel_loop3A_227 = tpu.vector_load %arg19[%parallel_loop3A_225, %parallel_loop3A_226] {strides = array<i32>} : memref<320x64xf32, #tpu.memory_space<vmem>>, vector<16xf32>,
        tpu.vector_store %arg19[%parallel_loop3A_225, %parallel_loop3A_226], %parallel_loop3A_224 {strides = array<i32>} : memref<320x64xf32, #tpu.memory_space<vmem>>, vector<16xf32>,
        %parallel_loop3A_228 = arith.mulf %parallel_loop3A_151, %parallel_loop3A_209 : vector<16xf32>
        %parallel_loop3A_229 = arith.addf %parallel_loop3A_228, %parallel_loop3A_213 : vector<16xf32>
        %parallel_loop3A_230 = arith.mulf %parallel_loop3A_229, %get3A_53 : vector<16xf32>
        %parallel_loop3A_231 = arith.addf %parallel_loop3A_230, %get3A_61 : vector<16xf32>
        %parallel_loop3A_232 = arith.index_cast %parallel_loop3A_130 : i32 to index
        %parallel_loop3A_233 = arith.constant 32 : index
        %parallel_loop3A_234 = tpu.vector_load %arg19[%parallel_loop3A_232, %parallel_loop3A_233] {strides = array<i32>} : memref<320x64xf32, #tpu.memory_space<vmem>>, vector<16xf32>,
        tpu.vector_store %arg19[%parallel_loop3A_232, %parallel_loop3A_233], %parallel_loop3A_231 {strides = array<i32>} : memref<320x64xf32, #tpu.memory_space<vmem>>, vector<16xf32>,
        %parallel_loop3A_235 = arith.mulf %parallel_loop3A_152, %parallel_loop3A_209 : vector<16xf32>
        %parallel_loop3A_236 = arith.addf %parallel_loop3A_235, %parallel_loop3A_213 : vector<16xf32>
        %parallel_loop3A_237 = arith.mulf %parallel_loop3A_236, %get3A_55 : vector<16xf32>
        %parallel_loop3A_238 = arith.addf %parallel_loop3A_237, %get3A_63 : vector<16xf32>
        %parallel_loop3A_239 = arith.index_cast %parallel_loop3A_130 : i32 to index
        %parallel_loop3A_240 = arith.constant 48 : index
        %parallel_loop3A_241 = tpu.vector_load %arg19[%parallel_loop3A_239, %parallel_loop3A_240] {strides = array<i32>} : memref<320x64xf32, #tpu.memory_space<vmem>>, vector<16xf32>,
        tpu.vector_store %arg19[%parallel_loop3A_239, %parallel_loop3A_240], %parallel_loop3A_238 {strides = array<i32>} : memref<320x64xf32, #tpu.memory_space<vmem>>, vector<16xf32>,
      } {sc.loop_unroll_factor = 4 : i64, sc.parallel_access}
      %dma_start3A_126 = arith.constant 0 : i32
      %dma_start3A_127 = tpu.memref_slice %arg10[%add3A_109, %dma_start3A_126] : memref<204800x64xf32, #tpu.memory_space<hbm>> -> memref<320x64xf32, #tpu.memory_space<hbm>>
      %dma_start3A_128 = arith.constant 0 : i32
      %dma_start3A_129 = tpu.memref_slice %arg10[%add3A_109, %dma_start3A_128] : memref<204800x64xf32, #tpu.memory_space<hbm>> -> memref<320x64xf32, #tpu.memory_space<hbm>>
      tpu.enqueue_dma source(%arg19 : memref<320x64xf32, #tpu.memory_space<vmem>>) target(%dma_start3A_129 : memref<320x64xf32, #tpu.memory_space<hbm>>) target_semaphore(%arg28 : memref<!tpu.dma_semaphore, #tpu.memory_space<semaphore_mem>>)
    }
    %scan3A_70 = arith.constant 10 : i32
    %dma_wait3A = arith.constant 0 : i32
    %dma_wait3A_71 = tpu.memref_slice %arg10[%mul3A_2, %dma_wait3A] : memref<204800x64xf32, #tpu.memory_space<hbm>> -> memref<320x64xf32, #tpu.memory_space<hbm>>
    %dma_wait3A_72 = arith.constant 0 : i32
    %dma_wait3A_73 = tpu.memref_slice %arg10[%mul3A_2, %dma_wait3A_72] : memref<204800x64xf32, #tpu.memory_space<hbm>> -> memref<320x64xf32, #tpu.memory_space<hbm>>
    tpu.wait_dma2 semaphore(%arg27 : memref<!tpu.dma_semaphore, #tpu.memory_space<semaphore_mem>>) src(%arg18 : memref<320x64xf32, #tpu.memory_space<vmem>>) dst(%dma_wait3A_73 : memref<320x64xf32, #tpu.memory_space<hbm>>)
    %dma_wait3A_74 = arith.constant 0 : i32
    %dma_wait3A_75 = tpu.memref_slice %arg10[%mul3A_2, %dma_wait3A_74] : memref<204800x64xf32, #tpu.memory_space<hbm>> -> memref<320x64xf32, #tpu.memory_space<hbm>>
    %dma_wait3A_76 = arith.constant 0 : i32
    %dma_wait3A_77 = tpu.memref_slice %arg10[%mul3A_2, %dma_wait3A_76] : memref<204800x64xf32, #tpu.memory_space<hbm>> -> memref<320x64xf32, #tpu.memory_space<hbm>>
    tpu.wait_dma2 semaphore(%arg28 : memref<!tpu.dma_semaphore, #tpu.memory_space<semaphore_mem>>) src(%arg19 : memref<320x64xf32, #tpu.memory_space<vmem>>) dst(%dma_wait3A_77 : memref<320x64xf32, #tpu.memory_space<hbm>>)
    return
  }
}

</mosaic_0001>

<sc_bundles>
// kernel: kernel.3.cloned.1.call-start
scs
__scs_entry_jumppad:
0x0: {  	(pc) =	sbr.rel $0x88, $3  }
0x1: {  	(tag) =	ssettag $0x0;
	lr =	simm.s32 $0x1  }
0x2: {  	[smem:$0x3F99] =	sst lr;
	_ =	strace $0xD0000000  }
0x3: {  	_ = 	snop  }
0x4: {  	_ = 	snop  }
0x5: {  	_ = 	snop  }
0x6: {  	_ = 	snop  }
0x7: {  	_ = 	snop  }
__scs_overlays_trampoline_lowered:
0x8: {  	[smem:$0x3FA8] =	sst s0  }
0x9: {  	[smem:$0x3FA9] =	sst s1  }
0xa: {  	[smem:$0x3FAA] =	sst s2  }
0xb: {  	[smem:$0x3FAB] =	sst s3  }
0xc: {  	[smem:$0x3FAC] =	sst s4  }
0xd: {  	[smem:$0x3FAD] =	sst s5  }
0xe: {  	[smem:$0x3FAE] =	sst s6  }
0xf: {  	[smem:$0x3FAF] =	sst s7  }
0x10: {  	[smem:$0x3FB0] =	sst s8  }
0x11: {  	[smem:$0x3FB1] =	sst s9;
	s0 =	simm.s32 @!p0 $0x0  }
0x12: {  	s1 =	sld [smem:$0x3F97];
	s0 =	simm.s32 @p0 $0x1  }
0x13: {  	[smem:$0x3FB2] =	sst s0;
	s0 =	simm.s32 @!p1 $0x0  }
0x14: {  	s2 =	sld [smem:$0x3F96];
	s0 =	simm.s32 @p1 $0x1  }
0x15: {  	[smem:$0x3FB3] =	sst s0;
	s0 =	simm.s32 @!p2 $0x0  }
0x16: {  	s3 =	sld [smem:$0x3FDB];
	s0 =	simm.s32 @p2 $0x1  }
0x17: {  	s4 =	simm.s32 $0x1BF5;
	[smem:$0x3FB5] =	sst s0  }
0x18: {  	s0 =	sld [smem:$0x3F98];
	_ =	swait.ge [sflag:s4], $0x0  }
0x19: {  	s7 =	sld [smem:$0x3F99]  }
0x1a: {  	s8 =	sadd.s32 $0xFFFFE003, lr  }
0x1b: {  	s9 =	sadd.s32 $0xFFFFFEF7, lr;
	s5 =	simm.s32 $0xFFFFFFFF;
	p2 =	slt.u32 s8, $0xFFFFF086  }
0x1c: {  	p1 =	slt.u32 s9, $0xF7A;
	s5 =	simm.s32 @!p2 $0x0  }
0x1d: {  	s5 =	simm.s32 @p1 $0x1;
	p0 =	seq.s32 s7, s2  }
0x1e: {  	s7 =	smul.u32 @!p0 $0xF7A, s2;
	p2 =	seq.s32 @!p0 s5, $0x0  }
0x1f: {  	s9 =	smul.u32 $0xF7A, s1;
	s8 =	simm.s32 @!p0 $0x1BF5;
	p2 =	por !p2, p0  }
0x20: {  	[sflag:s8] =	ssyncset.s32 @!p0 $0xFFFFF086;
	s6 =	sadd.s32 @!p0 s3, s7;
	s7 =	simm.s32 @!p0 $0x108  }
0x21: {  	s3 =	sadd.s32 s3, s9;
	s6 =	sadd.s32 @!p0 $0x88, s6;
	s7 =	simm.s32 @p2 $0x1082  }
0x22: {  	[simem:s7], [sflag:s8] =	dma.local @!p0 [hbm:s6], $0xF7A  }
0x23: {  	s9 =	sor.u32 $0xD0000000, s2;
	s6 =	simm.s32 $0x108;
	_ =	swait.ge @!p0 [sflag:s8], $0x0  }
0x24: {  	s3 =	sadd.s32 $0x88, s3;
	s6 =	simm.s32 @!p1 $0x1082;
	[sflag:s4] =	ssyncset.s32 $0xFFFFF086  }
0x25: {  	[simem:s6], [sflag:s4] =	dma.local [hbm:s3], $0xF7A  }
0x26: {  	[smem:$0x3F99] =	sst s1;
	(tag) =	ssettag s2;
	_ =	strace s9  }
0x27: {  	s1 =	sld [smem:$0x3FA9]  }
0x28: {  	s2 =	sld [smem:$0x3FAA]  }
0x29: {  	s4 =	sld [smem:$0x3FAC]  }
0x2a: {  	p0 =	seq.s32 s5, $0x0;
	s5 =	sld [smem:$0x3FAD]  }
0x2b: {  	s6 =	sld [smem:$0x3FAE]  }
0x2c: {  	s7 =	sld [smem:$0x3FAF]  }
0x2d: {  	s3 =	simm.s32 $0x108;
	s8 =	sld [smem:$0x3FB0]  }
0x2e: {  	s3 =	simm.s32 @!p0 $0x1082;
	s9 =	sld [smem:$0x3FB1]  }
0x2f: {  	lr =	sadd.s32 s0, s3;
	s0 =	sld [smem:$0x3FA8]  }
0x30: {  	s3 =	sld [smem:$0x3FAB]  }
0x31: {  	[smem:$0x3FB4] =	sst s10  }
0x32: {  	s10 =	sld [smem:$0x3FB2];
	_ =	sdelay $0x3  }
0x33: {  	p0 =	seq.s32 s10, $0x1;
	s10 =	sld [smem:$0x3FB4];
	_ =	sdelay $0x3  }
0x34: {  	[smem:$0x3FB4] =	sst s10  }
0x35: {  	s10 =	sld [smem:$0x3FB3];
	_ =	sdelay $0x3  }
0x36: {  	p1 =	seq.s32 s10, $0x1;
	s10 =	sld [smem:$0x3FB4];
	_ =	sdelay $0x3  }
0x37: {  	[smem:$0x3FB4] =	sst s10  }
0x38: {  	s10 =	sld [smem:$0x3FB5]  }
0x39: {  	_ = 	snop;
	(pc) =	sbr.ind lr, $3  }
0x3a: {  	_ = 	snop  }
0x3b: {  	_ = 	snop  }
0x3c: {  	p2 =	seq.s32 s10, $0x1;
	s10 =	sld [smem:$0x3FB4]  }
0x3d: {  	_ =	shalt  }
0x3e: {  	_ =	shalt  }
0x3f: {  	_ =	shalt  }
0x40: {  	_ =	shalt  }
0x41: {  	_ =	shalt  }
0x42: {  	_ =	shalt  }
0x43: {  	_ =	shalt  }
0x44: {  	_ =	shalt  }
0x45: {  	_ =	shalt  }
0x46: {  	_ =	shalt  }
0x47: {  	_ =	shalt  }
0x48: {  	_ =	shalt  }
0x49: {  	_ =	shalt  }
0x4a: {  	_ =	shalt  }
0x4b: {  	_ =	shalt  }
0x4c: {  	_ =	shalt  }
0x4d: {  	_ =	shalt  }
0x4e: {  	_ =	shalt  }
0x4f: {  	_ =	shalt  }
0x50: {  	_ =	shalt  }
0x51: {  	_ =	shalt  }
0x52: {  	_ =	shalt  }
0x53: {  	_ =	shalt  }
0x54: {  	_ =	shalt  }
0x55: {  	_ =	shalt  }
0x56: {  	_ =	shalt  }
0x57: {  	_ =	shalt  }
0x58: {  	_ =	shalt  }
0x59: {  	_ =	shalt  }
0x5a: {  	_ =	shalt  }
0x5b: {  	_ =	shalt  }
0x5c: {  	_ =	shalt  }
0x5d: {  	_ =	shalt  }
0x5e: {  	_ =	shalt  }
0x5f: {  	_ =	shalt  }
0x60: {  	_ =	shalt  }
0x61: {  	_ =	shalt  }
0x62: {  	_ =	shalt  }
0x63: {  	_ =	shalt  }
0x64: {  	_ =	shalt  }
0x65: {  	_ =	shalt  }
0x66: {  	_ =	shalt  }
0x67: {  	_ =	shalt  }
0x68: {  	_ =	shalt  }
0x69: {  	_ =	shalt  }
0x6a: {  	_ =	shalt  }
0x6b: {  	_ =	shalt  }
0x6c: {  	_ =	shalt  }
0x6d: {  	_ =	shalt  }
0x6e: {  	_ =	shalt  }
0x6f: {  	_ =	shalt  }
0x70: {  	_ =	shalt  }
0x71: {  	_ =	shalt  }
0x72: {  	_ =	shalt  }
0x73: {  	_ =	shalt  }
0x74: {  	_ =	shalt  }
0x75: {  	_ =	shalt  }
0x76: {  	_ =	shalt  }
0x77: {  	_ =	shalt  }
0x78: {  	_ =	shalt  }
0x79: {  	_ =	shalt  }
0x7a: {  	_ =	shalt  }
0x7b: {  	_ =	shalt  }
0x7c: {  	_ =	shalt  }
0x7d: {  	_ =	shalt  }
0x7e: {  	_ =	shalt  }
0x7f: {  	_ =	shalt  }
0x80: {  	_ =	shalt  }
0x81: {  	_ =	shalt  }
0x82: {  	_ =	shalt  }
0x83: {  	_ =	shalt  }
0x84: {  	_ =	shalt  }
0x85: {  	_ =	shalt  }
0x86: {  	_ =	shalt  }
0x87: {  	_ =	shalt  }
.Lfunc_end0:
.L_simem_size_0:
called_computation.1_lowered:
.L_overlay_start_0:
0x88: {  	s2 =	sld [smem:$0x3FD9]  }
0x89: {  	s3 =	sld [smem:$0x3FFE];
	_ =	sdelay $0x1  }
0x8a: {  	s1 =	srdreg.scid  }
0x8b: {  	s0 =	sand.u32 $0x1, s1  }
0x8c: {  	s17 =	sshll.u32 s0, $0xA;
	s2 =	sadd.s32 s3, s2  }
0x8d: {  	s2 =	sadd.s32 s2, s17  }
0x8e: {  	[smem:$0x3FC0] =	sst s2  }
0x8f: {  	_ = 	snop  }
0x90: {  	s2 =	sld [smem:$0x3FC3]  }
0x91: {  	s18 =	sld [smem:$0x3FC2]  }
0x92: {  	s4 =	sld [smem:$0x3FD0];
	(tm) =	ssettm $0x1  }
0x93: {  	s5 =	sld [smem:$0x3FFB];
	_ =	sdelay $0x3  }
0x94: {  	_ =	strace s5  }
0x95: {  	s5 =	sld [smem:$0x3FFC];
	_ =	sdelay $0x3  }
0x96: {  	_ =	strace s5  }
0x97: {  	s5 =	sld [smem:$0x3FFD];
	_ =	sdelay $0x3  }
0x98: {  	_ =	strace s5  }
0x99: {  	_ =	strace $0x8FFFFFFF  }
0x9a: {  	s19 =	sld [smem:$0x3FDB];
	_ =	sdelay $0x1  }
0x9b: {  	s6 =	simm.s32 $_scs_section_size  }
0x9c: {  	s7 =	simm.s32 $_size__tile_overlayer_lowered;
	s8 =	simm.s32 $_tile_overlayer_lowered  }
0x9d: {  	s22 =	simm.s32 $0x1BFF;
	s21 =	sshll.u32 s8, $0x1;
	s5 =	sadd.s32 s6, s19  }
0x9e: {  	s9 =	simm.s32 $0x0;
	s20 =	sshll.u32 s7, $0x1;
	s7 =	sadd.s32 s21, s5  }
0x9f: {  	[timem:s9], [sflag:s22] =	dma.local [hbm:s7], s20  }
0xa0: {  	_ =	swait.ge [sflag:s22], s20  }
0xa1: {  	s6 =	ssub.s32 $0x0, s20;
	[sflag:s22] =	ssyncset.done $0x0  }
0xa2: {  	[sflag:s22] =	ssyncadd.s32 s6;
	_ =	sdelay $0x1  }
0xa3: {  	s23 =	simm.s32 $0x1B8B  }
0xa4: {  	_ =	swait.ge [sflag:s23], $0x1  }
0xa5: {  	[sflag:s23] =	ssyncset.done $0x0  }
0xa6: {  	s25 =	simm.s32 $0x1B8E;
	s24 =	sld [smem:$0x3FFE];
	[sflag:s23] =	ssyncadd.s32 $0xFFFFFFFF  }
0xa7: {  	s26 =	simm.s32 $execute0_lowered;
	[smem:$0x3FD2] =	sst s25  }
0xa8: {  	s7 =	sshll.u32 s26, $0x1;
	_ =	strace $0x80000046;
	[dreg:$0x1] =	wrdreg $0xFFFFFFFF  }
0xa9: {  	s28 =	simm.s32 $_size_execute0_lowered;
	s5 =	sadd.s32 s5, s7;
	[dreg:$0x0] =	wrdreg $0x0  }
0xaa: {  	s7 =	sshll.u32 s28, $0x1;
	[dreg:$0x2] =	wrdreg s5  }
0xab: {  	[dreg:$0x3] =	wrdreg s7  }
0xac: {  	[dreg:$0x4] =	wrdreg $0xC0  }
0xad: {  	_ =	task [dreg:s9], $0x5FFFF  }
0xae: {  	[dreg:$0x1] =	wrdreg $0xFFFFFFFF  }
0xaf: {  	[dreg:$0x0] =	wrdreg $0x60  }
0xb0: {  	[dreg:$0x2] =	wrdreg s24  }
0xb1: {  	[dreg:$0x3] =	wrdreg s2  }
0xb2: {  	[dreg:$0x4] =	wrdreg s18  }
0xb3: {  	[dreg:$0x5] =	wrdreg s4  }
0xb4: {  	[dreg:$0x6] =	wrdreg $0x9  }
0xb5: {  	_ =	task.clear_ibuf [dreg:s9], $0x7FFFF;
	_ =	strace $0x90000046  }
0xb6: {  	s29 =	simm.s32 $0x9;
	_ =	strace $0x80000048  }
0xb7: {  	_ =	swait.ge [sflag:s29], $0x1  }
0xb8: {  	[sflag:s29] =	ssyncadd.s32 $0xFFFFFFFF  }
0xb9: {  	_ =	strace $0x90000048  }
0xba: {  	_ =	sfence  }
0xbb: {  	s30 =	sld [smem:$0x0];
	_ =	sdelay $0x2  }
0xbc: {  	s31 =	sshll.u32 s1, $0xD;
	s1 =	sshrl.u32 s1, $0x2  }
0xbd: {  	s3 =	sand.u32 $0x4000, s31;
	s1 =	sadd.s32 s1, s30  }
0xbe: {  	s0 =	sor.u32 s3, s0;
	s1 =	sshll.u32 s1, $0x11  }
0xbf: {  	s0 =	sor.u32 s1, s0  }
0xc0: {  	s0 =	sadd.s32 $0x8F2B, s0  }
0xc1: {  	[sflag:s0] =	ssyncadd.remote.s32 $0x1  }
0xc2: {  	_ =	sfence.sel $0xFFFF  }
0xc3: {  	[dreg:$0x0] =	wrdreg $0xFFFFFFFF;
	(pc) =	sbr.abs _section_cstart, $3  }
0xc4: {  	[dreg:$0x1] =	wrdreg $0xFFFFFFFF  }
0xc5: {  	_ =	task.clear_ibuf [dreg:s9], $0x2FFFF;
	_ =	strace $0x9FFFFFFF  }
0xc6: {  	(tm) =	ssettm $0x7FFFFFFF  }
0xc7: {  	_ =	shalt  }
tec
execute0_lowered:
.L_overlay_start_1:
0x0: {  	(tag) =	ssettag $0x1  }
0x1: {  	s0 =	rddreg [dreg:$0x0]  }
0x2: {  	s3 =	rddreg [dreg:$0x3]  }
0x3: {  	s5 =	simm.s32 $0x0;
	s1 =	srdreg.scid;
	s2 =	stileid.u32  }
0x4: {  	s19 =	simm.s32 $0x5;
	s28 =	simm.s32 $0x3C0;
	s29 =	simm.s32 $0x640  }
0x5: {  	s30 =	simm.s32 $0x58C0;
	s31 =	simm.s32 $0x1;
	[smem:$0x7FF] =	sst s5  }
0x6: {  	s1 =	sand.u32 $0x1, s1;
	s2 =	sshll.u32 s2, $0x1;
	s6 =	sadd.s32 $0xDA00, s0  }
0x7: {  	s7 =	sadd.s32 $0x7600, s0;
	s8 =	sadd.s32 $0x1200, s0;
	s10 =	sadd.s32 $0xF43600, s0  }
0x8: {  	s21 =	sadd.s32 $0x13E00, s0;
	s2 =	sor.u32 s1, s2;
	s1 =	ssub.s32 $0x2, s1  }
0x9: {  	s0 =	sadd.s32 $0x14600, s0;
	s9 =	smul.u32 $0x1900, s2;
	s22 =	sshrl.u32 s1, $0x1  }
0xa: {  	_ =	strace $0x80000047;
	[dreg:$0x5] =	wrdreg s21;
	s23 =	ssub.s32 s1, s22  }
0xb: {  	[dreg:$0x6] =	wrdreg s0;
	s24 =	sshrl.u32 s9, $0x3;
	s0 =	smax.u32 s23, $0x1  }
0xc: {  	s4 =	simm.s32 $0xDB40;
	s25 =	sadd.s32 s6, s24;
	[dreg:$0xa] =	wrdreg s0  }
0xd: {  	s18 =	simm.s32 $0x4;
	s26 =	sadd.s32 s7, s24;
	[dreg:$0x7] =	wrdreg s25  }
0xe: {  	s20 =	simm.s32 $0x0;
	s1 =	sadd.s32 s8, s24;
	[dreg:$0x8] =	wrdreg s26  }
0xf: {  	v0 =	vlaneseq.u32;
	s16 =	sadd.s32 $0x140, s9;
	s0 =	simm.s32 $0x780;
	[dreg:$0x9] =	wrdreg s1  }
0x10: {  	v1 =	vor.u32 $0x10, v0;
	v2 =	vor.u32 $0x20, v0;
	v3 =	vor.u32 $0x30, v0;
	s25 =	simm.s32 $0x140;
	s26 =	simm.s32 $0x8C0;
	s1 =	simm.s32 $0x2  }
.LBB2_1:
0x11: {  	s2 =	rddreg [dreg:$0x5];
	s11 =	simm.s32 $0xA8C0  }
0x12: {  	[tilespmem:s11], [sflag:$0x5] =	stream.linear.gather [hbm4b:s2+s5], $0x3200, $0x38;
	[tilespmem:$0x13FC0] =	vst v63  }
0x13: {  	_ =	swait.ge [sflag:s19], $0x3200  }
0x14: {  	[sflag:s19] =	ssyncset.done $0x0  }
0x15: {  	s17 =	simm.s32 $0xDAC0;
	s15 =	rddreg [dreg:$0x6];
	[sflag:s19] =	ssyncadd.s32 $0xFFFFCE00  }
0x16: {  	[tilespmem:s17], [sflag:$0x5] =	stream.linear.gather [hbm4b:s15+s5], $0x80, $0x38;
	[tilespmem:$0x13FC0] =	vst v63  }
0x17: {  	_ =	swait.ge [sflag:s19], $0x80  }
0x18: {  	[sflag:s19] =	ssyncset.done $0x0  }
0x19: {  	[sflag:s19] =	ssyncadd.s32 $0xFFFFFF80  }
0x1a: {  	s22 =	simm.s32 $0x13F40;
	s21 =	rddreg [dreg:$0x1]  }
0x1b: {  	[tilespmem:s22], [sflag:$0x5] =	stream.linear.gather [hbm4b:s21+s5], $0x40, $0x38;
	[tilespmem:$0x13FC0] =	vst v63  }
0x1c: {  	_ =	swait.ge [sflag:s19], $0x40  }
0x1d: {  	[sflag:s19] =	ssyncset.done $0x0  }
0x1e: {  	[sflag:s19] =	ssyncadd.s32 $0xFFFFFFC0  }
0x1f: {  	s24 =	simm.s32 $0x13F80;
	s23 =	rddreg [dreg:$0x2]  }
0x20: {  	[tilespmem:s24], [sflag:$0x5] =	stream.linear.gather [hbm4b:s23+s5], $0x40, $0x38;
	[tilespmem:$0x13FC0] =	vst v63  }
0x21: {  	_ =	swait.ge [sflag:s19], $0x40  }
0x22: {  	[sflag:s19] =	ssyncset.done $0x0  }
0x23: {  	[sflag:s19] =	ssyncadd.s32 $0xFFFFFFC0  }
0x24: {  	v10 =	vld [tilespmem:$0xDAC0]  }
0x25: {  	s13 =	simm.s32 $0x0;
	v8 =	vld [tilespmem:$0xDAD0]  }
0x26: {  	v12 =	vld [tilespmem:s13+$0xA8C0]  }
0x27: {  	v11 =	vld [tilespmem:$0xDB00]  }
0x28: {  	v6 =	vld [tilespmem:$0xDAE0]  }
0x29: {  	v4 =	vld [tilespmem:$0xDAF0]  }
0x2a: {  	v9 =	vld [tilespmem:$0xDB10]  }
0x2b: {  	v7 =	vld [tilespmem:$0xDB20];
	v13 =	vadd.f32 v12, v10  }
0x2c: {  	s11 =	simm.s32 $0xDB80;
	s23 =	simm.s32 $0x40;
	v5 =	vld [tilespmem:$0xDB30];
	v12 =	vadd.f32 v12, v11  }
0x2d: {  	[tilespmem:s11+$0xFFFFFFC0] =	vst v13;
	v13 =	vld [tilespmem:s23+$0xA8C0]  }
0x2e: {  	[tilespmem:s11+$0x0] =	vst v12  }
0x2f: {  	v12 =	vld [tilespmem:s13+$0xA8D0];
	_ =	sdelay $0x2  }
0x30: {  	v14 =	vadd.f32 v13, v10  }
0x31: {  	s12 =	simm.s32 $0xDC00;
	s22 =	simm.s32 $0x80;
	v13 =	vadd.f32 v13, v11  }
0x32: {  	v15 =	vld [tilespmem:s22+$0xA8C0];
	[tilespmem:s12+$0xFFFFFFC0] =	vst v14;
	v14 =	vadd.f32 v12, v8  }
0x33: {  	[tilespmem:s12+$0x0] =	vst v13;
	v12 =	vadd.f32 v12, v9  }
0x34: {  	v13 =	vld [tilespmem:s23+$0xA8D0];
	[tilespmem:s11+$0xFFFFFFD0] =	vst v14  }
0x35: {  	[tilespmem:s11+$0x10] =	vst v12  }
0x36: {  	v12 =	vld [tilespmem:s13+$0xA8E0]  }
0x37: {  	v14 =	vadd.f32 v15, v10  }
0x38: {  	s21 =	simm.s32 $0xDC80;
	s24 =	simm.s32 $0xC0;
	v15 =	vadd.f32 v15, v11  }
0x39: {  	v16 =	vld [tilespmem:s24+$0xA8C0];
	[tilespmem:s21+$0xFFFFFFC0] =	vst v14;
	v14 =	vadd.f32 v13, v8  }
0x3a: {  	[tilespmem:s21+$0x0] =	vst v15;
	v13 =	vadd.f32 v13, v9  }
0x3b: {  	v15 =	vld [tilespmem:s22+$0xA8D0];
	[tilespmem:s12+$0xFFFFFFD0] =	vst v14;
	v14 =	vadd.f32 v12, v6  }
0x3c: {  	[tilespmem:s12+$0x10] =	vst v13;
	v12 =	vadd.f32 v12, v7  }
0x3d: {  	v13 =	vld [tilespmem:s23+$0xA8E0];
	[tilespmem:s11+$0xFFFFFFE0] =	vst v14  }
0x3e: {  	[tilespmem:s11+$0x20] =	vst v12;
	v12 =	vadd.f32 v16, v10  }
0x3f: {  	s15 =	simm.s32 $0xDD00;
	v16 =	vadd.f32 v16, v11;
	v17 =	vld [tilespmem:s13+$0xA8F0]  }
0x40: {  	s13 =	simm.s32 $0x100;
	[tilespmem:s15+$0xFFFFFFC0] =	vst v12;
	v12 =	vadd.f32 v15, v8  }
0x41: {  	v14 =	vld [tilespmem:s13+$0xA8C0];
	[tilespmem:s15+$0x0] =	vst v16;
	v15 =	vadd.f32 v15, v9  }
0x42: {  	[tilespmem:s21+$0xFFFFFFD0] =	vst v12;
	v12 =	vadd.f32 v13, v6  }
0x43: {  	[tilespmem:s21+$0x10] =	vst v15;
	v13 =	vadd.f32 v13, v7;
	v15 =	vld [tilespmem:s24+$0xA8D0]  }
0x44: {  	[tilespmem:s12+$0xFFFFFFE0] =	vst v12;
	v18 =	vadd.f32 v17, v5  }
0x45: {  	[tilespmem:s12+$0x20] =	vst v13;
	v13 =	vadd.f32 v17, v4;
	v12 =	vld [tilespmem:s22+$0xA8E0]  }
0x46: {  	s14 =	simm.s32 $0xDD00;
	s17 =	simm.s32 $0x500;
	v16 =	vadd.f32 v14, v10;
	[tilespmem:s11+$0x30] =	vst v18  }
.LBB2_2:
0x47: {  	p0 =	sne.s32 s17, $0xC700;
	v17 =	vadd.f32 v14, v11;
	s15 =	sadd.s32 $0x80, s15;
	v18 =	vld [tilespmem:s23+$0xA8F0];
	[tilespmem:s11+$0xFFFFFFF0] =	vst v13;
	s11 =	smov.u32 s12  }
0x48: {  	s2 =	sshra.s32 s17, $0x2;
	s12 =	smov.u32 s21;
	s21 =	smov.u32 s14;
	[tilespmem:s15+$0xFFFFFFC0] =	vst v16;
	v13 =	vadd.f32 v15, v8  }
0x49: {  	s23 =	smov.u32 s22;
	s22 =	smov.u32 s24;
	v16 =	vadd.f32 v15, v9;
	s14 =	smov.u32 s15;
	v14 =	vld [tilespmem:s2+$0xA8C0];
	[tilespmem:s15+$0x0] =	vst v17  }
.Ltmp0:
0x4a: {  	s24 =	smov.u32 s13;
	s13 =	smov.u32 s2;
	[tilespmem:s21+$0xFFFFFFD0] =	vst v13;
	v13 =	vadd.f32 v12, v6;
	(pc) =	sbr.rel @p0 .LBB2_2-.Ltmp0, $4  }
0x4b: {  	v15 =	vld [tilespmem:s24+$0xA8D0];
	[tilespmem:s21+$0x10] =	vst v16;
	v16 =	vadd.f32 v12, v7  }
0x4c: {  	[tilespmem:s12+$0xFFFFFFE0] =	vst v13;
	v13 =	vadd.f32 v18, v4;
	v17 =	vadd.f32 v18, v5  }
0x4d: {  	v12 =	vld [tilespmem:s22+$0xA8E0];
	[tilespmem:s12+$0x20] =	vst v16  }
0x4e: {  	s17 =	sadd.s32 $0x100, s17;
	v16 =	vadd.f32 v14, v10;
	[tilespmem:s11+$0x30] =	vst v17  }
0x4f: {  	v10 =	vadd.f32 v14, v11;
	s2 =	sadd.s32 $0x80, s15  }
0x50: {  	[tilespmem:s2+$0xFFFFFFC0] =	vst v16  }
0x51: {  	[tilespmem:s2+$0x0] =	vst v10  }
0x52: {  	v10 =	vld [tilespmem:s13+$0xA8D0];
	_ =	sdelay $0x2  }
0x53: {  	v11 =	vadd.f32 v15, v8  }
0x54: {  	v62 =	vadd.f32 v15, v9  }
0x55: {  	[tilespmem:s14+$0xFFFFFFD0] =	vst v11;
	v8 =	vadd.f32 v10, v8  }
0x56: {  	[tilespmem:s14+$0x10] =	vst v62;
	v9 =	vadd.f32 v10, v9  }
0x57: {  	v10 =	vld [tilespmem:s24+$0xA8E0];
	[tilespmem:s2+$0xFFFFFFD0] =	vst v8  }
0x58: {  	[tilespmem:s2+$0x10] =	vst v9  }
0x59: {  	v8 =	vld [tilespmem:s13+$0xA8E0]  }
0x5a: {  	v9 =	vadd.f32 v12, v6  }
0x5b: {  	v11 =	vadd.f32 v12, v7  }
0x5c: {  	v63 =	vld [tilespmem:s23+$0xA8F0];
	[tilespmem:s21+$0xFFFFFFE0] =	vst v9;
	v9 =	vadd.f32 v10, v6  }
0x5d: {  	[tilespmem:s21+$0x20] =	vst v11;
	v10 =	vadd.f32 v10, v7  }
0x5e: {  	v11 =	vld [tilespmem:s22+$0xA8F0];
	[tilespmem:s14+$0xFFFFFFE0] =	vst v9;
	v6 =	vadd.f32 v8, v6  }
0x5f: {  	[tilespmem:s14+$0x20] =	vst v10;
	v7 =	vadd.f32 v8, v7  }
0x60: {  	v8 =	vld [tilespmem:s24+$0xA8F0];
	[tilespmem:s2+$0xFFFFFFE0] =	vst v6  }
0x61: {  	v6 =	vadd.f32 v63, v5;
	[tilespmem:s2+$0x20] =	vst v7  }
0x62: {  	[tilespmem:s11+$0xFFFFFFF0] =	vst v13;
	v7 =	vadd.f32 v63, v4;
	v9 =	vld [tilespmem:s13+$0xA8F0]  }
0x63: {  	[tilespmem:s12+$0x30] =	vst v6;
	v6 =	vadd.f32 v11, v5  }
0x64: {  	[tilespmem:s12+$0xFFFFFFF0] =	vst v7;
	v7 =	vadd.f32 v11, v4  }
0x65: {  	[tilespmem:s21+$0x30] =	vst v6;
	v6 =	vadd.f32 v8, v5  }
0x66: {  	[tilespmem:s21+$0xFFFFFFF0] =	vst v7;
	v7 =	vadd.f32 v8, v4  }
0x67: {  	[tilespmem:s14+$0x30] =	vst v6;
	v5 =	vadd.f32 v9, v5  }
0x68: {  	[tilespmem:s14+$0xFFFFFFF0] =	vst v7;
	v4 =	vadd.f32 v9, v4  }
0x69: {  	[tilespmem:s2+$0x30] =	vst v5  }
0x6a: {  	[tilespmem:s2+$0xFFFFFFF0] =	vst v4  }
0x6b: {  	v4 =	vld [tilespmem:$0x13F40]  }
0x6c: {  	v5 =	vld [tilespmem:$0x13F50]  }
0x6d: {  	v6 =	vld [tilespmem:$0x13F60]  }
0x6e: {  	v7 =	vld [tilespmem:$0x13F70]  }
0x6f: {  	v8 =	vld [tilespmem:$0x13F80]  }
0x70: {  	v9 =	vld [tilespmem:$0x13F90]  }
0x71: {  	s21 =	simm.s32 $0x0;
	v10 =	vld [tilespmem:$0x13FA0];
	s2 =	rddreg [dreg:$0x7]  }
0x72: {  	v11 =	vld [tilespmem:$0x13FB0];
	[tilespmem:s21], [sflag:$0x5] =	stream.linear.gather [hbm4b:s2+s21], $0x140, $0x38  }
0x73: {  	_ =	swait.ge [sflag:s19], $0x140  }
0x74: {  	[sflag:s19] =	ssyncset.done $0x0  }
0x75: {  	s22 =	simm.s32 $0x280;
	s17 =	rddreg [dreg:$0x8];
	[sflag:s19] =	ssyncadd.s32 $0xFFFFFEC0  }
0x76: {  	[tilespmem:s22], [sflag:$0x5] =	stream.linear.gather [hbm4b:s17+s21], $0x140, $0x38;
	[tilespmem:$0x13FC0] =	vst v63  }
0x77: {  	_ =	swait.ge [sflag:s19], $0x140  }
0x78: {  	[sflag:s19] =	ssyncset.done $0x0  }
0x79: {  	s24 =	simm.s32 $0x500;
	s23 =	rddreg [dreg:$0x9];
	[sflag:s19] =	ssyncadd.s32 $0xFFFFFEC0  }
0x7a: {  	[tilespmem:s24], [sflag:$0x5] =	stream.linear.gather [hbm4b:s23+s21], $0x140, $0x38;
	[tilespmem:$0x13FC0] =	vst v63  }
0x7b: {  	_ =	swait.ge [sflag:s19], $0x140  }
0x7c: {  	[sflag:s19] =	ssyncset.done $0x0  }
0x7d: {  	[sflag:s19] =	ssyncadd.s32 $0xFFFFFEC0  }
0x7e: {  	[tilespmem:s26], [sflag:$0x1] =	stream.indirect.gather [hbm4b:s10+s25], $0x40, s21, s25, $0xb8;
	[tilespmem:$0x13FC0] =	vst v63  }
.LBB2_4:
0x7f: {  	s22 =	smul.u32 $0x280, s21;
	_ =	sdelay $0x1  }
0x80: {  	s23 =	sadd.s32 s9, s22  }
0x81: {  	s2 =	sshrl.u32 s23, $0x3  }
0x82: {  	s2 =	sadd.s32 $0x28, s2  }
0x83: {  	s11 =	sadd.s32 s6, s2  }
0x84: {  	[tilespmem:s25], [sflag:$0x5] =	stream.linear.gather [hbm4b:s11+s5], $0x140, $0x38;
	[tilespmem:$0x13FC0] =	vst v63  }
0x85: {  	_ =	swait.ge [sflag:s19], $0x140  }
0x86: {  	[sflag:s19] =	ssyncset.done $0x0  }
0x87: {  	s24 =	sadd.s32 s7, s2;
	[sflag:s19] =	ssyncadd.s32 $0xFFFFFEC0  }
0x88: {  	[tilespmem:s28], [sflag:$0x5] =	stream.linear.gather [hbm4b:s24+s5], $0x140, $0x38;
	[tilespmem:$0x13FC0] =	vst v63  }
0x89: {  	_ =	swait.ge [sflag:s19], $0x140  }
0x8a: {  	[sflag:s19] =	ssyncset.done $0x0  }
0x8b: {  	s2 =	sadd.s32 s8, s2;
	[sflag:s19] =	ssyncadd.s32 $0xFFFFFEC0  }
0x8c: {  	[tilespmem:s29], [sflag:$0x5] =	stream.linear.gather [hbm4b:s2+s5], $0x140, $0x38;
	[tilespmem:$0x13FC0] =	vst v63  }
0x8d: {  	_ =	swait.ge [sflag:s19], $0x140  }
0x8e: {  	p0 =	seq.s32 s21, $0x0;
	[sflag:s19] =	ssyncset.done $0x0  }
0x8f: {  	s2 =	simm.s32 @!p0 $0x4;
	[sflag:s19] =	ssyncadd.s32 $0xFFFFFEC0  }
0x90: {  	_ =	swait.ge @!p0 [sflag:s2], $0x5000  }
0x91: {  	[sflag:s2] =	ssyncset.done @!p0 $0x0  }
0x92: {  	[sflag:s2] =	ssyncadd.s32 @!p0 $0xFFFFB000  }
0x93: {  	[tilespmem:s30], [sflag:$0x2] =	stream.indirect.gather [hbm4b:s10+s25], $0x40, s25, s25, $0xb8;
	[tilespmem:$0x13FC0] =	vst v63  }
0x94: {  	_ =	swait.ge [sflag:s31], $0x5000  }
0x95: {  	[sflag:s31] =	ssyncset.done $0x0  }
0x96: {  	s11 =	simm.s32 $0x0;
	[sflag:s31] =	ssyncadd.s32 $0xFFFFB000  }
0x97: {  	v12 =	vld [tilespmem:s11+$0x280]  }
0x98: {  	s12 =	simm.s32 $0x40;
	v13 =	vld [tilespmem:s11+$0x500]  }
.LBB2_5:
0x99: {  	p0 =	sne.s32 s12, $0x4C0  }
.Ltmp1:
0x9a: {  	_ = 	snop;
	(pc) =	sbr.rel @p0 .LBB2_5-.Ltmp1, $4  }
0x9b: {  	_ = 	snop  }
0x9c: {  	s2 =	sshra.s32 s12, $0x2;
	s12 =	sadd.s32 $0x40, s12;
	v14 =	vshll.u32 v12, $0x1  }
0x9d: {  	v12 =	vld [tilespmem:s2+$0x280];
	v14 =	vadd.s32 v13, v14  }
0x9e: {  	v13 =	vld [tilespmem:s2+$0x500];
	[tilespmem:s11+$0x780] =	vst v14;
	s11 =	smov.u32 s2  }
0x9f: {  	_ = 	snop  }
0xa0: {  	s12 =	simm.s32 $0x0  }
0xa1: {  	s2 =	simm.s32 $0x3;
	v15 =	vmov s12  }
0xa2: {  	v14 =	vmov s2;
	v15 =	vand.u32 $0xFFFFFFFC, v15;
	v12 =	vshll.u32 v12, $0x1  }
0xa3: {  	v12 =	vadd.s32 v13, v12;
	v13 =	vbroadcast v15, $0x0  }
0xa4: {  	s12 =	simm.s32 $0x2  }
0xa5: {  	v15 =	vmov s12  }
0xa6: {  	[tilespmem:s11+$0x780] =	vst v12;
	v15 =	vand.u32 $0xFFFFFFFE, v15  }
0xa7: {  	v12 =	vld.idx.msk [tilespmem:v14+s0+$0x0], $0xffff;
	v15 =	vbroadcast v15, $0x0;
	_ =	sdelay $0x1  }
0xa8: {  	s24 =	simm.s32 $0x940;
	s11 =	simm.s32 $0x1;
	v13 =	vld.idx.msk [tilespmem:v13+s0+$0x0], $0xffff  }
0xa9: {  	v14 =	vmov s11;
	v23 =	vld [tilespmem:s24+$0x0]  }
0xaa: {  	v25 =	vld [tilespmem:s24+$0x10];
	v14 =	vand.u32 $0xFFFFFFFD, v14  }
0xab: {  	v28 =	vld [tilespmem:s24+$0x20];
	v14 =	vbroadcast v14, $0x0;
	v12 =	vshll.u32 v12, $0x6  }
0xac: {  	v16 =	vor.u32 v0, v12;
	v17 =	vor.u32 v1, v12;
	v15 =	vld.idx.msk [tilespmem:v15+s0+$0x0], $0xffff  }
0xad: {  	v31 =	vld [tilespmem:s24+$0x30];
	v18 =	vor.u32 v2, v12;
	v12 =	vor.u32 v3, v12;
	v13 =	vshll.u32 v13, $0x6  }
0xae: {  	v37 =	vld [tilespmem:s24+$0xFFFFFFB0];
	v19 =	vor.u32 v0, v13  }
0xaf: {  	v63 =	vld [tilespmem:s24+$0xFFFFFFD0];
	v20 =	vor.u32 v1, v13  }
0xb0: {  	v44 =	vld [tilespmem:s24+$0xFFFFFFE0]  }
0xb1: {  	v14 =	vld.idx.msk [tilespmem:v14+s0+$0x0], $0xffff;
	v15 =	vshll.u32 v15, $0x6  }
0xb2: {  	v27 =	vld.idx.msk [tilespmem:v12+s4+$0x0], $0xffff;
	v22 =	vor.u32 v1, v15  }
0xb3: {  	v24 =	vor.u32 v2, v15;
	v12 =	vld.idx.msk [tilespmem:v19+s4+$0x0], $0xffff  }
0xb4: {  	v19 =	vld.idx.msk [tilespmem:v20+s4+$0x0], $0xffff;
	v20 =	vor.u32 v0, v15  }
0xb5: {  	v38 =	vld [tilespmem:s24+$0xFFFFFFF0];
	v15 =	vor.u32 v3, v15  }
0xb6: {  	v39 =	vld [tilespmem:s24+$0x40]  }
0xb7: {  	v22 =	vld.idx.msk [tilespmem:v22+s4+$0x0], $0xffff  }
0xb8: {  	v21 =	vor.u32 v2, v13;
	v14 =	vshll.u32 v14, $0x6;
	v24 =	vld.idx.msk [tilespmem:v24+s4+$0x0], $0xffff  }
0xb9: {  	v26 =	vor.u32 v0, v14;
	v20 =	vld.idx.msk [tilespmem:v20+s4+$0x0], $0xffff  }
0xba: {  	v30 =	vor.u32 v2, v14;
	v15 =	vld.idx.msk [tilespmem:v15+s4+$0x0], $0xffff  }
0xbb: {  	v40 =	vld [tilespmem:s24+$0x50];
	v13 =	vor.u32 v3, v13  }
0xbc: {  	v17 =	vld.idx.msk [tilespmem:v17+s4+$0x0], $0xffff  }
0xbd: {  	v29 =	vor.u32 v1, v14;
	v14 =	vor.u32 v3, v14;
	v21 =	vld.idx.msk [tilespmem:v21+s4+$0x0], $0xffff  }
0xbe: {  	v33 =	vld.idx.msk [tilespmem:v26+s4+$0x0], $0xffff;
	v25 =	vadd.f32 v22, v25;
	v24 =	vadd.f32 v24, v28  }
0xbf: {  	v34 =	vld.idx.msk [tilespmem:v30+s4+$0x0], $0xffff;
	v26 =	vadd.f32 v20, v23;
	v30 =	vadd.f32 v15, v31  }
0xc0: {  	v32 =	vld.idx.msk [tilespmem:v13+s4+$0x0], $0xffff;
	v35 =	vmul.f32 v24, v24  }
0xc1: {  	v13 =	vld [tilespmem:s24+$0xFFFFFF80];
	v20 =	vmul.f32 v25, v25;
	v22 =	vadd.f32 v25, v26;
	v28 =	vadd.f32 v30, v24  }
0xc2: {  	v23 =	vld.idx.msk [tilespmem:v14+s4+$0x0], $0xffff;
	v14 =	vmul.f32 v26, v26;
	v36 =	vmul.f32 v30, v30  }
0xc3: {  	v29 =	vld.idx.msk [tilespmem:v29+s4+$0x0], $0xffff;
	v22 =	vadd.f32 v28, v22  }
0xc4: {  	v28 =	vld [tilespmem:s24+$0xFFFFFFC0];
	v14 =	vadd.f32 v20, v14;
	v20 =	vadd.f32 v36, v35  }
0xc5: {  	v15 =	vld [tilespmem:s24+$0xFFFFFF90]  }
0xc6: {  	v31 =	vld [tilespmem:s24+$0xFFFFFFA0];
	(xrf2) =	vadd.scan.msk.f32 $0xffff, v22;
	v14 =	vadd.f32 v20, v14  }
0xc7: {  	v16 =	vld.idx.msk [tilespmem:v16+s4+$0x0], $0xffff  }
0xc8: {  	v18 =	vld.idx.msk [tilespmem:v18+s4+$0x0], $0xffff;
	(xrf2) =	vadd.scan.msk.f32 $0xffff, v14  }
0xc9: {  	v17 =	vadd.f32 v17, v40;
	v22 =	vadd.f32 v33, v28;
	v28 =	vld [tilespmem:s24+$0x60]  }
0xca: {  	v12 =	vadd.f32 v12, v13;
	v13 =	vadd.f32 v19, v15  }
0xcb: {  	s14 =	simm.s32 $0x7;
	v14 =	vadd.f32 v21, v31;
	v21 =	vadd.f32 v29, v63;
	v29 =	vld [tilespmem:s24+$0x70]  }
0xcc: {  	v52 =	vmov s14;
	v19 =	vadd.f32 v32, v37;
	v23 =	vadd.f32 v23, v38  }
0xcd: {  	v55 =	vmul.f32 v17, v17;
	v15 =	vadd.f32 v16, v39;
	v20 =	vadd.f32 v34, v44  }
0xce: {  	v45 =	vmul.f32 v12, v12;
	v16 =	vadd.f32 v18, v28;
	v28 =	vadd.f32 v13, v12  }
0xcf: {  	s13 =	simm.s32 $0x4;
	v46 =	vmul.f32 v13, v13;
	v39 =	vadd.f32 v17, v15;
	v36 =	vadd.f32 v23, v20  }
0xd0: {  	v31 =	vmov s13;
	v18 =	vadd.f32 v27, v29;
	v27 =	vadd.f32 v19, v14;
	v29, _, _ =	vpop (xrf2)  }
0xd1: {  	v50 =	vmul.f32 v20, v20;
	v47 =	vadd.f32 v21, v22;
	v43 =	vmul.f32 $1.562500000e-02, v29  }
0xd2: {  	v31 =	vand.u32 $0xFFFFFFFC, v31;
	v49 =	vmul.f32 v21, v21;
	v27 =	vadd.f32 v27, v28;
	v28, _, _ =	vpop (xrf2)  }
0xd3: {  	v34 =	vadd.f32 v36, v47;
	v28 =	vmul.f32 $1.562500000e-02, v28;
	v53 =	vmul.f32 v43, v43  }
0xd4: {  	v32 =	vadd.f32 v46, v45;
	v41 =	vmul.f32 v14, v14;
	v48 =	vmul.f32 v22, v22  }
0xd5: {  	v31 =	vbroadcast v31, $0x0;
	(xrf2) =	vadd.scan.msk.f32 $0xffff, v34;
	v29 =	vmul.f32 v23, v23;
	v28 =	vsub.f32 v28, v53  }
0xd6: {  	v35 =	vadd.f32 v49, v48;
	v51 =	vadd.f32 v18, v16;
	(xrf2) =	vadd.scan.msk.f32 $0xffff, v27;
	v27 =	vmul.f32 v19, v19  }
0xd7: {  	v56 =	vmul.f32 v16, v16;
	v29 =	vadd.f32 v29, v50;
	v28 =	vadd.f32 $9.999999740e-06, v28  }
0xd8: {  	v57 =	vmul.f32 v18, v18;
	v36 =	vadd.f32 v51, v39;
	v27 =	vadd.f32 v27, v41  }
0xd9: {  	v54 =	vmul.f32 v15, v15;
	v29 =	vadd.f32 v29, v35;
	v28 =	vbroadcast v28, $0xF  }
0xda: {  	v60 =	vadd.f32 v57, v56;
	(xrf2) =	vadd.scan.msk.f32 $0xffff, v36;
	v27 =	vadd.f32 v27, v32  }
0xdb: {  	(xrf2) =	vadd.scan.msk.f32 $0xffff, v29;
	v29 =	vadd.f32 v55, v54;
	v61 =	vshra.s32 v28, $0x1;
	v62 =	vmul.f32 $5.000000000e-01, v28  }
0xdc: {  	s15 =	simm.s32 $0x5;
	v31 =	vld.idx.msk [tilespmem:v31+s0+$0x0], $0xffff;
	(xrf2) =	vadd.scan.msk.f32 $0xffff, v27;
	v63 =	vsub.s32 $0x5F3759DF, v61  }
0xdd: {  	v58 =	vmov s15;
	v59 =	vld.idx.msk [tilespmem:v52+s0+$0x0], $0xffff;
	v28 =	vadd.f32 v60, v29;
	v29 =	vmul.f32 v63, v62  }
0xde: {  	v33 =	vand.u32 $0xFFFFFFFD, v58  }
0xdf: {  	v33 =	vbroadcast v33, $0x0;
	v29 =	vmul.f32 v63, v29;
	_ =	sdelay $0x1  }
0xe0: {  	v31 =	vshll.u32 v31, $0x6;
	v27, _, _ =	vpop (xrf2);
	(xrf2) =	vadd.scan.msk.f32 $0xffff, v28;
	v29 =	vsub.f32 $1.500000000e+00, v29  }
0xe1: {  	v51 =	vbroadcast v43, $0xF;
	v32 =	vshll.u32 v59, $0x6;
	v42 =	vor.u32 v0, v31  }
0xe2: {  	v40 =	vor.u32 v1, v31;
	v39 =	vor.u32 v2, v31;
	v27 =	vmul.f32 $1.562500000e-02, v27;
	v52, _, _ =	vpop (xrf2)  }
0xe3: {  	v41 =	vor.u32 v3, v31;
	v48 =	vor.u32 v0, v32;
	v34 =	vmul.f32 $1.562500000e-02, v52;
	v54, _, _ =	vpop (xrf2)  }
0xe4: {  	v33 =	vld.idx.msk [tilespmem:v33+s0+$0x0], $0xffff;
	v35 =	vor.u32 v1, v32;
	v53 =	vmul.f32 v27, v27;
	v45 =	vmul.f32 v63, v29;
	v29, _, _ =	vpop (xrf2)  }
0xe5: {  	v36 =	vor.u32 v2, v32;
	v44 =	vmul.f32 v34, v34;
	v56 =	vmul.f32 $1.562500000e-02, v29;
	v58, _, _ =	vpop (xrf2)  }
0xe6: {  	v37 =	vor.u32 v3, v32;
	v57 =	vmul.f32 v45, v62;
	v59 =	vmul.f32 $1.562500000e-02, v58  }
0xe7: {  	v27 =	vbroadcast v27, $0xF;
	v55 =	vmul.f32 $1.562500000e-02, v54;
	v47 =	vsub.f32 v56, v53  }
0xe8: {  	v28 =	vbroadcast v34, $0xF;
	v49 =	vmul.f32 v57, v45;
	v44 =	vsub.f32 v59, v44  }
0xe9: {  	v34 =	vshll.u32 v33, $0x6;
	v46 =	vmul.f32 v55, v55;
	v31 =	vadd.f32 $9.999999740e-06, v47  }
0xea: {  	v29 =	vbroadcast v55, $0xF;
	v61, _, _ =	vpop (xrf2);
	v60 =	vsub.f32 $1.500000000e+00, v49;
	v50 =	vadd.f32 $9.999999740e-06, v44  }
0xeb: {  	v38 =	vor.u32 v0, v34;
	v49 =	vmul.f32 $1.562500000e-02, v61;
	v31 =	vbroadcast v31, $0xF  }
0xec: {  	v32 =	vor.u32 v1, v34;
	v44 =	vmul.f32 v60, v45;
	v52 =	vbroadcast v50, $0xF  }
0xed: {  	v62 =	vshra.s32 v31, $0x1;
	v43 =	vmul.f32 $5.000000000e-01, v31;
	v31 =	vsub.f32 v49, v46  }
0xee: {  	v33 =	vor.u32 v2, v34;
	v63 =	vmul.f32 v44, v51;
	v47 =	vmul.f32 v44, v26  }
0xef: {  	s17 =	simm.s32 $0x6;
	v30 =	vmul.f32 v44, v30;
	v46 =	vsub.s32 $0x5F3759DF, v62;
	v26 =	vadd.f32 $9.999999740e-06, v31  }
0xf0: {  	v45 =	vsub.f32 $0.0e+00, v63;
	v53 =	vshra.s32 v52, $0x1;
	v31 =	vmov s17  }
0xf1: {  	v49 =	vmul.f32 v46, v43;
	v31 =	vand.u32 $0xFFFFFFFE, v31;
	v54 =	vbroadcast v26, $0xF  }
0xf2: {  	v51 =	vadd.f32 v45, v30;
	v50 =	vbroadcast v31, $0x0;
	v31 =	vmul.f32 $5.000000000e-01, v52  }
0xf3: {  	s12 =	simm.s32 $0x8;
	s11 =	simm.s32 $0x940;
	v26 =	vld.idx.msk [tilespmem:v48+s4+$0x0], $0xffff;
	v48 =	vsub.s32 $0x5F3759DF, v53;
	v52 =	vshra.s32 v54, $0x1;
	v30 =	vmul.f32 $5.000000000e-01, v54  }
.LBB2_7:
0xf4: {  	p0 =	slt.u32 s12, $0x13C;
	v35 =	vld.idx.msk [tilespmem:v35+s4+$0x0], $0xffff;
	v53 =	vmul.f32 v48, v31;
	v51 =	vmul.f32 v51, v7;
	v52 =	vsub.s32 $0x5F3759DF, v52  }
0xf5: {  	v49 =	vmul.f32 v46, v49;
	v47 =	vadd.f32 v45, v47;
	v36 =	vld.idx.msk [tilespmem:v36+s4+$0x0], $0xffff;
	v54 =	vmul.f32 v52, v30  }
0xf6: {  	v25 =	vmul.f32 v44, v25;
	v37 =	vld.idx.msk [tilespmem:v37+s4+$0x0], $0xffff;
	v53 =	vmul.f32 v48, v53;
	v51 =	vadd.f32 v51, v11  }
0xf7: {  	v24 =	vmul.f32 v44, v24;
	v49 =	vsub.f32 $1.500000000e+00, v49;
	v42 =	vld.idx.msk [tilespmem:v42+s4+$0x0], $0xffff;
	v44 =	vmul.f32 v52, v54  }
0xf8: {  	v47 =	vmul.f32 v47, v4;
	v25 =	vadd.f32 v45, v25;
	v50 =	vld.idx.msk [tilespmem:v50+s0+$0x0], $0xffff;
	v53 =	vsub.f32 $1.500000000e+00, v53;
	[tilespmem:s24+$0x30] =	vst v51  }
0xf9: {  	v24 =	vadd.f32 v45, v24;
	v46 =	vmul.f32 v46, v49;
	v40 =	vld.idx.msk [tilespmem:v40+s4+$0x0], $0xffff;
	v44 =	vsub.f32 $1.500000000e+00, v44  }
0xfa: {  	v47 =	vadd.f32 v47, v8;
	v25 =	vmul.f32 v25, v5;
	v45 =	vld.idx.msk [tilespmem:v39+s4+$0x0], $0xffff;
	v48 =	vmul.f32 v48, v53  }
0xfb: {  	v34 =	vor.u32 v3, v34;
	v39 =	vld.idx.msk [tilespmem:v41+s4+$0x0], $0xffff;
	v41 =	vmul.f32 v46, v43;
	v43 =	vmul.f32 v52, v44  }
0xfc: {  	v24 =	vmul.f32 v24, v6;
	v25 =	vadd.f32 v25, v9;
	v31 =	vmul.f32 v48, v31;
	[tilespmem:s24+$0x0] =	vst v47  }
0xfd: {  	v44 =	vld.idx.msk [tilespmem:v38+s4+$0x0], $0xffff;
	v38 =	vmul.f32 v41, v46;
	v30 =	vmul.f32 v43, v30  }
0xfe: {  	v24 =	vadd.f32 v24, v10;
	v41 =	vld.idx.msk [tilespmem:v32+s4+$0x0], $0xffff;
	v32 =	vshll.u32 v50, $0x6;
	v31 =	vmul.f32 v31, v48;
	[tilespmem:s24+$0x10] =	vst v25  }
0xff: {  	v47 =	vld.idx.msk [tilespmem:v33+s4+$0x0], $0xffff;
	v25 =	vor.u32 v0, v32;
	v33 =	vsub.f32 $1.500000000e+00, v38;
	v30 =	vmul.f32 v30, v43  }
0x100: {  	s24 =	sadd.s32 $0x100, s24;
	v38 =	vmov s12;
	v50 =	vor.u32 v1, v32;
	v49 =	vld.idx.msk [tilespmem:v34+s4+$0x0], $0xffff;
	v31 =	vsub.f32 $1.500000000e+00, v31;
	[tilespmem:s11+$0x20] =	vst v24  }
0x101: {  	s2 =	sadd.s32 $0x3, s12;
	v51 =	vor.u32 v2, v32;
	v24 =	vld [tilespmem:s24+$0x0];
	v46 =	vmul.f32 v33, v46;
	v30 =	vsub.f32 $1.500000000e+00, v30  }
0x102: {  	v53 =	vor.u32 v3, v32;
	v34 =	vmov s2;
	v52 =	vld [tilespmem:s24+$0x10];
	v31 =	vmul.f32 v31, v48  }
0x103: {  	s2 =	sadd.s32 $0x1, s12;
	v33 =	vand.u32 $0xFFFFFFFC, v38;
	v48 =	vld [tilespmem:s24+$0x20];
	v27 =	vmul.f32 v46, v27;
	v30 =	vmul.f32 v30, v43  }
0x104: {  	v32 =	vmov s2;
	v22 =	vmul.f32 v46, v22;
	v25 =	vld.idx.msk [tilespmem:v25+s4+$0x0], $0xffff;
	v28 =	vmul.f32 v31, v28  }
0x105: {  	v21 =	vmul.f32 v46, v21;
	v43 =	vld.idx.msk [tilespmem:v50+s4+$0x0], $0xffff;
	v50 =	vsub.f32 $0.0e+00, v27;
	v27 =	vmul.f32 v30, v29  }
0x106: {  	v20 =	vmul.f32 v46, v20;
	v23 =	vmul.f32 v46, v23;
	v51 =	vld.idx.msk [tilespmem:v51+s4+$0x0], $0xffff;
	v28 =	vsub.f32 $0.0e+00, v28  }
0x107: {  	v12 =	vmul.f32 v31, v12;
	v13 =	vmul.f32 v31, v13;
	v46 =	vld.idx.msk [tilespmem:v53+s4+$0x0], $0xffff;
	v27 =	vsub.f32 $0.0e+00, v27  }
0x108: {  	v54 =	vmul.f32 v31, v14;
	v55 =	vmul.f32 v31, v19;
	v14 =	vadd.f32 v50, v22;
	v53 =	vld [tilespmem:s24+$0x30]  }
0x109: {  	v56 =	vmul.f32 v30, v15;
	v57 =	vmul.f32 v30, v17;
	v21 =	vadd.f32 v50, v21;
	v19 =	vld [tilespmem:s24+$0xFFFFFF80]  }
0x10a: {  	v58 =	vmul.f32 v30, v16;
	v38 =	vmul.f32 v30, v18;
	v17 =	vadd.f32 v50, v20;
	v15 =	vld [tilespmem:s24+$0xFFFFFF90]  }
0x10b: {  	v18 =	vadd.f32 v50, v23;
	v59 =	vadd.f32 v28, v12;
	v29 =	vmul.f32 v14, v4;
	v16 =	vld [tilespmem:s24+$0xFFFFFFA0]  }
0x10c: {  	v30 =	vadd.f32 v25, v24;
	v25 =	vadd.f32 v43, v52;
	v43 =	vmul.f32 v21, v5;
	v23 =	vld [tilespmem:s24+$0xFFFFFFB0]  }
0x10d: {  	v24 =	vadd.f32 v51, v48;
	v20 =	vld [tilespmem:s24+$0xFFFFFFC0];
	v31 =	vadd.f32 v46, v53;
	v46 =	vmul.f32 v17, v6  }
0x10e: {  	v12 =	vadd.f32 v42, v19;
	v17 =	vld [tilespmem:s24+$0xFFFFFFD0];
	v19 =	vmul.f32 v30, v30;
	v42 =	vadd.f32 v28, v13  }
0x10f: {  	v21 =	vmul.f32 v25, v25;
	v22 =	vadd.f32 v25, v30;
	v48 =	vld [tilespmem:s24+$0xFFFFFFE0];
	v50 =	vadd.f32 v31, v24  }
0x110: {  	v13 =	vadd.f32 v40, v15;
	v40 =	vmul.f32 v24, v24;
	v51 =	vmul.f32 v31, v31;
	v15 =	vld [tilespmem:s24+$0xFFFFFFF0]  }
0x111: {  	v14 =	vadd.f32 v45, v16;
	v45 =	vmul.f32 v12, v12;
	v16 =	vadd.f32 v50, v22;
	v50 =	vld [tilespmem:s24+$0x40]  }
0x112: {  	v19 =	vadd.f32 v21, v19;
	v52 =	vmul.f32 v13, v13;
	v40 =	vadd.f32 v51, v40;
	v51 =	vld [tilespmem:s24+$0x50]  }
0x113: {  	v53 =	vmul.f32 v14, v14;
	v22 =	vadd.f32 v44, v20;
	v21 =	vadd.f32 v41, v17;
	v41 =	vld [tilespmem:s24+$0x60];
	(xrf2) =	vadd.scan.msk.f32 $0xffff, v16  }
0x114: {  	v44 =	vmul.f32 v18, v7;
	v16 =	vadd.f32 v40, v19;
	v20 =	vadd.f32 v47, v48;
	v40 =	vld [tilespmem:s24+$0x70]  }
0x115: {  	v19 =	vadd.f32 v39, v23;
	v39 =	vmul.f32 v22, v22;
	v23 =	vadd.f32 v49, v15  }
0x116: {  	v47 =	vmul.f32 v21, v21;
	v48 =	vmul.f32 v20, v20;
	v15 =	vadd.f32 v26, v50;
	(xrf2) =	vadd.scan.msk.f32 $0xffff, v16  }
0x117: {  	v49 =	vadd.f32 v21, v22;
	v26 =	vmul.f32 v23, v23;
	v17 =	vadd.f32 v35, v51  }
0x118: {  	v35 =	vmul.f32 v19, v19;
	v50 =	vadd.f32 v23, v20;
	v16 =	vadd.f32 v36, v41  }
0x119: {  	v36 =	vadd.f32 v13, v12;
	v18 =	vadd.f32 v37, v40;
	v37 =	vmul.f32 v15, v15  }
0x11a: {  	v40 =	vadd.f32 v19, v14;
	v41 =	vmul.f32 v17, v17;
	v51 =	vadd.f32 v17, v15  }
0x11b: {  	v60 =	vmul.f32 v16, v16;
	v61 =	vmul.f32 v18, v18;
	v62 =	vadd.f32 v18, v16  }
0x11c: {  	v39 =	vadd.f32 v47, v39;
	v47 =	vmul.f32 v59, v4;
	v49 =	vadd.f32 v50, v49  }
0x11d: {  	v42 =	vmul.f32 v42, v5;
	v36 =	vadd.f32 v40, v36;
	v40 =	vadd.f32 v26, v48;
	v34 =	vld.idx.msk [tilespmem:v34+s0+$0x0], $0xffff;
	v26, _, _ =	vpop (xrf2)  }
0x11e: {  	v33 =	vbroadcast v33, $0x0;
	v45 =	vadd.f32 v52, v45;
	v35 =	vadd.f32 v35, v53;
	(xrf2) =	vadd.scan.msk.f32 $0xffff, v49  }
0x11f: {  	v37 =	vadd.f32 v41, v37;
	v48 =	vadd.f32 v62, v51;
	v26 =	vmul.f32 $1.562500000e-02, v26  }
0x120: {  	v32 =	vand.u32 $0xFFFFFFFD, v32;
	v39 =	vadd.f32 v40, v39;
	v40 =	vadd.f32 v61, v60;
	v41, _, _ =	vpop (xrf2)  }
0x121: {  	v35 =	vadd.f32 v35, v45;
	v45 =	vmul.f32 v26, v26;
	v41 =	vmul.f32 $1.562500000e-02, v41;
	(xrf2) =	vadd.scan.msk.f32 $0xffff, v36  }
0x122: {  	v32 =	vbroadcast v32, $0x0;
	v36 =	vadd.f32 v40, v37;
	v37 =	vadd.f32 v28, v54  }
0x123: {  	v28 =	vadd.f32 v28, v55;
	v34 =	vshll.u32 v34, $0x6;
	v40 =	vsub.f32 v41, v45  }
0x124: {  	v37 =	vmul.f32 v37, v6;
	v41 =	vadd.f32 v27, v56;
	v45 =	vadd.f32 v27, v57;
	(xrf2) =	vadd.scan.msk.f32 $0xffff, v48  }
0x125: {  	v28 =	vmul.f32 v28, v7;
	v48 =	vadd.f32 v27, v58;
	v49 =	vadd.f32 $9.999999740e-06, v40  }
0x126: {  	v27 =	vadd.f32 v27, v38;
	v41 =	vmul.f32 v41, v4;
	v45 =	vmul.f32 v45, v5  }
0x127: {  	v29 =	vadd.f32 v29, v8;
	v38 =	vbroadcast v49, $0xF;
	(xrf2) =	vadd.scan.msk.f32 $0xffff, v39;
	v39 =	vmul.f32 v48, v6  }
0x128: {  	v43 =	vadd.f32 v43, v9;
	v46 =	vadd.f32 v46, v10;
	v48 =	vmul.f32 v27, v7;
	v40, _, _ =	vpop (xrf2)  }
0x129: {  	v27 =	vmul.f32 $1.562500000e-02, v40;
	v40 =	vshra.s32 v38, $0x1;
	v38 =	vmul.f32 $5.000000000e-01, v38;
	[tilespmem:s11+$0xFFFFFFC0] =	vst v29  }
0x12a: {  	v29 =	vsub.s32 $0x5F3759DF, v40;
	(xrf2) =	vadd.scan.msk.f32 $0xffff, v35;
	v35 =	vadd.f32 v47, v8;
	v40 =	vadd.f32 v44, v11  }
0x12b: {  	v42 =	vadd.f32 v42, v9;
	v44 =	vmul.f32 v27, v27;
	v47 =	vmul.f32 v29, v38;
	v49, _, _ =	vpop (xrf2);
	[tilespmem:s11+$0xFFFFFFD0] =	vst v43  }
0x12c: {  	v37 =	vadd.f32 v37, v10;
	v27 =	vbroadcast v27, $0xF;
	v33 =	vld.idx.msk [tilespmem:v33+s0+$0x0], $0xffff;
	v43 =	vmul.f32 $1.562500000e-02, v49;
	[tilespmem:s11+$0xFFFFFFE0] =	vst v46  }
0x12d: {  	v41 =	vadd.f32 v41, v8;
	v46 =	vmul.f32 v29, v47;
	(xrf2) =	vadd.scan.msk.f32 $0xffff, v36;
	v47 =	vadd.f32 v28, v11  }
0x12e: {  	v45 =	vadd.f32 v45, v9;
	v28 =	vbroadcast v43, $0xF;
	v43 =	vmul.f32 v43, v43;
	v36, _, _ =	vpop (xrf2);
	[tilespmem:s11+$0xFFFFFFF0] =	vst v40  }
0x12f: {  	v49 =	vadd.f32 v39, v10;
	v32 =	vld.idx.msk [tilespmem:v32+s0+$0x0], $0xffff;
	v40 =	vsub.f32 $1.500000000e+00, v46;
	v46 =	vmul.f32 $1.562500000e-02, v36;
	[tilespmem:s11+$0xFFFFFF80] =	vst v35  }
0x130: {  	v52 =	vor.u32 v0, v34;
	v48 =	vadd.f32 v48, v11;
	v35 =	vor.u32 v1, v34;
	[tilespmem:s11+$0xFFFFFF90] =	vst v42  }
0x131: {  	v36 =	vor.u32 v2, v34;
	v50 =	vmul.f32 v29, v40;
	v51 =	vmul.f32 v46, v46;
	v29, _, _ =	vpop (xrf2);
	[tilespmem:s11+$0xFFFFFFA0] =	vst v37  }
0x132: {  	v33 =	vshll.u32 v33, $0x6;
	v53 =	vmul.f32 $1.562500000e-02, v29;
	v29 =	vbroadcast v46, $0xF;
	[tilespmem:s11+$0xFFFFFFB0] =	vst v47  }
0x133: {  	v37 =	vor.u32 v3, v34;
	v42 =	vor.u32 v0, v33;
	v38 =	vmul.f32 v50, v38;
	[tilespmem:s11+$0x40] =	vst v41  }
0x134: {  	v40 =	vor.u32 v1, v33;
	v39 =	vor.u32 v2, v33;
	v44 =	vsub.f32 v53, v44;
	v41, _, _ =	vpop (xrf2);
	[tilespmem:s11+$0x50] =	vst v45  }
0x135: {  	v34 =	vshll.u32 v32, $0x6;
	v45 =	vmul.f32 $1.562500000e-02, v41;
	v47 =	vmul.f32 v38, v50;
	[tilespmem:s11+$0x60] =	vst v49  }
0x136: {  	v41 =	vor.u32 v3, v33;
	v38 =	vor.u32 v0, v34;
	v44 =	vadd.f32 $9.999999740e-06, v44;
	[tilespmem:s11+$0x70] =	vst v48;
	s11 =	smov.u32 s24  }
0x137: {  	v32 =	vor.u32 v1, v34;
	v43 =	vsub.f32 v45, v43;
	v45 =	vsub.f32 $1.500000000e+00, v47;
	v46, _, _ =	vpop (xrf2)  }
0x138: {  	v33 =	vor.u32 v2, v34;
	v47 =	vbroadcast v44, $0xF;
	v46 =	vmul.f32 $1.562500000e-02, v46  }
0x139: {  	v26 =	vbroadcast v26, $0xF;
	v48 =	vadd.f32 $9.999999740e-06, v43;
	v44 =	vmul.f32 v45, v50  }
0x13a: {  	v45 =	vshra.s32 v47, $0x1;
	v43 =	vmul.f32 $5.000000000e-01, v47;
	v50 =	vsub.f32 v46, v51  }
0x13b: {  	v48 =	vbroadcast v48, $0xF;
	v46 =	vsub.s32 $0x5F3759DF, v45;
	v26 =	vmul.f32 v44, v26  }
.Ltmp2:
0x13c: {  	s2 =	sadd.s32 $0x2, s12;
	v47 =	vmul.f32 v44, v30;
	v49 =	vmul.f32 v46, v43;
	v30 =	vadd.f32 $9.999999740e-06, v50;
	(pc) =	sbr.rel @p0 .LBB2_7-.Ltmp2, $4  }
0x13d: {  	v50 =	vmov s2;
	v45 =	vsub.f32 $0.0e+00, v26;
	v26 =	vmul.f32 v44, v31  }
0x13e: {  	v31 =	vand.u32 $0xFFFFFFFE, v50;
	v53 =	vshra.s32 v48, $0x1;
	v30 =	vbroadcast v30, $0xF  }
0x13f: {  	v50 =	vbroadcast v31, $0x0;
	v31 =	vmul.f32 $5.000000000e-01, v48;
	v51 =	vadd.f32 v45, v26  }
0x140: {  	s12 =	sadd.s32 $0x4, s12;
	v48 =	vsub.s32 $0x5F3759DF, v53;
	v26 =	vld.idx.msk [tilespmem:v52+s4+$0x0], $0xffff;
	v52 =	vshra.s32 v30, $0x1;
	v30 =	vmul.f32 $5.000000000e-01, v30  }
0x141: {  	_ =	sdelay $0x2  }
0x142: {  	v53 =	vmul.f32 v48, v31  }
0x143: {  	v49 =	vmul.f32 v46, v49;
	v50 =	vld.idx.msk [tilespmem:v50+s0+$0x0], $0xffff  }
0x144: {  	v35 =	vld.idx.msk [tilespmem:v35+s4+$0x0], $0xffff;
	v52 =	vsub.s32 $0x5F3759DF, v52;
	v53 =	vmul.f32 v48, v53  }
0x145: {  	v36 =	vld.idx.msk [tilespmem:v36+s4+$0x0], $0xffff;
	v54 =	vmul.f32 v52, v30;
	v49 =	vsub.f32 $1.500000000e+00, v49  }
0x146: {  	v37 =	vld.idx.msk [tilespmem:v37+s4+$0x0], $0xffff;
	v51 =	vmul.f32 v51, v7;
	v53 =	vsub.f32 $1.500000000e+00, v53  }
0x147: {  	v42 =	vld.idx.msk [tilespmem:v42+s4+$0x0], $0xffff;
	v47 =	vadd.f32 v45, v47;
	v54 =	vmul.f32 v52, v54;
	v46 =	vmul.f32 v46, v49  }
0x148: {  	v40 =	vld.idx.msk [tilespmem:v40+s4+$0x0], $0xffff;
	v25 =	vmul.f32 v44, v25;
	v50 =	vshll.u32 v50, $0x6;
	v48 =	vmul.f32 v48, v53  }
0x149: {  	v39 =	vld.idx.msk [tilespmem:v39+s4+$0x0], $0xffff;
	v60 =	vsub.f32 $1.500000000e+00, v54;
	v43 =	vmul.f32 v46, v43;
	v61 =	vor.u32 v0, v50  }
0x14a: {  	v41 =	vld.idx.msk [tilespmem:v41+s4+$0x0], $0xffff;
	s12 =	sadd.s32 $0x100, s24;
	v63 =	vor.u32 v1, v50;
	v55 =	vor.u32 v2, v50;
	v62 =	vmul.f32 v48, v31  }
0x14b: {  	v56 =	vld [tilespmem:s12+$0x10];
	v50 =	vor.u32 v3, v50;
	v49 =	vmul.f32 v52, v60;
	v43 =	vmul.f32 v43, v46  }
0x14c: {  	v24 =	vmul.f32 v44, v24;
	v44 =	vld [tilespmem:s12+$0x20];
	v25 =	vadd.f32 v45, v25;
	v31 =	vmul.f32 v62, v48  }
0x14d: {  	v47 =	vmul.f32 v47, v4;
	v54 =	vld [tilespmem:s12+$0x0];
	v60 =	vmul.f32 v49, v30;
	v43 =	vsub.f32 $1.500000000e+00, v43  }
0x14e: {  	v24 =	vadd.f32 v45, v24;
	v45 =	vmul.f32 v25, v5;
	v53 =	vld.idx.msk [tilespmem:v61+s4+$0x0], $0xffff;
	v31 =	vsub.f32 $1.500000000e+00, v31  }
0x14f: {  	v30 =	vmul.f32 v60, v49;
	v62 =	vld.idx.msk [tilespmem:v55+s4+$0x0], $0xffff;
	v43 =	vmul.f32 v43, v46  }
0x150: {  	v34 =	vor.u32 v3, v34;
	v50 =	vld.idx.msk [tilespmem:v50+s4+$0x0], $0xffff;
	v48 =	vmul.f32 v31, v48;
	v31 =	vmul.f32 v24, v6  }
0x151: {  	v46 =	vld.idx.msk [tilespmem:v63+s4+$0x0], $0xffff;
	v61 =	vsub.f32 $1.500000000e+00, v30;
	v27 =	vmul.f32 v43, v27;
	v22 =	vmul.f32 v43, v22  }
0x152: {  	v25 =	vadd.f32 v47, v8;
	v63 =	vld [tilespmem:s12+$0x30];
	v47 =	vmul.f32 v43, v21;
	v55 =	vmul.f32 v43, v20  }
0x153: {  	v38 =	vld.idx.msk [tilespmem:v38+s4+$0x0], $0xffff;
	v24 =	vadd.f32 v51, v11;
	v23 =	vmul.f32 v43, v23;
	v49 =	vmul.f32 v61, v49  }
0x154: {  	v32 =	vld.idx.msk [tilespmem:v32+s4+$0x0], $0xffff;
	v28 =	vmul.f32 v48, v28;
	v27 =	vsub.f32 $0.0e+00, v27;
	v12 =	vmul.f32 v48, v12  }
0x155: {  	v33 =	vld.idx.msk [tilespmem:v33+s4+$0x0], $0xffff;
	v43 =	vmul.f32 v48, v14;
	v20 =	vadd.f32 v62, v44;
	v31 =	vadd.f32 v31, v10  }
0x156: {  	v34 =	vld.idx.msk [tilespmem:v34+s4+$0x0], $0xffff;
	v60 =	vmul.f32 v49, v29;
	v29 =	vadd.f32 v53, v54;
	v21 =	vadd.f32 v46, v56  }
0x157: {  	v14 =	vld [tilespmem:s12+$0xFFFFFF90];
	v30 =	vadd.f32 v50, v63;
	v46 =	vmul.f32 v48, v19;
	v59 =	vmul.f32 v49, v15  }
0x158: {  	v50 =	vld [tilespmem:s12+$0xFFFFFFB0];
	v57 =	vsub.f32 $0.0e+00, v28;
	v28 =	vmul.f32 v48, v13;
	v22 =	vadd.f32 v27, v22  }
0x159: {  	v13 =	vld [tilespmem:s12+$0xFFFFFF80];
	v47 =	vadd.f32 v27, v47;
	v55 =	vadd.f32 v27, v55;
	v48 =	vmul.f32 v29, v29  }
0x15a: {  	v19 =	vld [tilespmem:s12+$0xFFFFFFA0];
	v61 =	vmul.f32 v21, v21;
	v62 =	vadd.f32 v21, v29;
	v63 =	vadd.f32 v30, v20  }
0x15b: {  	v54 =	vld [tilespmem:s12+$0xFFFFFFC0];
	v44 =	vsub.f32 $0.0e+00, v60;
	v60 =	vmul.f32 v20, v20;
	v58 =	vmul.f32 v30, v30  }
0x15c: {  	v15 =	vld [tilespmem:s12+$0xFFFFFFD0];
	v53 =	vmul.f32 v49, v17;
	v52 =	vadd.f32 v63, v62;
	v48 =	vadd.f32 v61, v48  }
0x15d: {  	v17 =	vld [tilespmem:s12+$0xFFFFFFE0];
	v56 =	vmul.f32 v49, v16;
	v51 =	vadd.f32 v58, v60;
	v58 =	vadd.f32 v57, v12  }
0x15e: {  	v49 =	vmul.f32 v49, v18;
	v18 =	vld [tilespmem:s12+$0x40];
	v16 =	vadd.f32 v41, v50;
	v12 =	vadd.f32 v42, v13  }
0x15f: {  	v60 =	vld [tilespmem:s12+$0xFFFFFFF0];
	v61 =	vadd.f32 v51, v48;
	v48 =	vadd.f32 v27, v23  }
0x160: {  	v47 =	vmul.f32 v47, v5;
	v62 =	vld [tilespmem:s12+$0x50];
	(xrf2) =	vadd.scan.msk.f32 $0xffff, v52;
	v13 =	vadd.f32 v40, v14;
	v51 =	vadd.f32 v57, v28  }
0x161: {  	v63 =	vld [tilespmem:s12+$0x60];
	v42 =	vmul.f32 v22, v4;
	v14 =	vadd.f32 v39, v19;
	v28 =	vadd.f32 v38, v54  }
0x162: {  	v23 =	vadd.f32 v32, v15;
	v54 =	vld [tilespmem:s12+$0x70];
	v22 =	vadd.f32 v33, v17;
	v39 =	vmul.f32 v12, v12;
	(xrf2) =	vadd.scan.msk.f32 $0xffff, v61  }
0x163: {  	v15 =	vadd.f32 v26, v18;
	v52 =	vmul.f32 v13, v13;
	v38 =	vmul.f32 v14, v14  }
0x164: {  	v33 =	vmul.f32 v28, v28;
	v61 =	vadd.f32 v13, v12;
	v27 =	vadd.f32 v34, v60  }
0x165: {  	v26 =	vmul.f32 v23, v23;
	v34 =	vadd.f32 v23, v28;
	v17 =	vadd.f32 v35, v62  }
0x166: {  	v35 =	vmul.f32 v22, v22;
	v18 =	vadd.f32 v36, v63;
	v60 =	vadd.f32 v27, v22  }
0x167: {  	v62 =	vmul.f32 v16, v16;
	v63 =	vadd.f32 v16, v14;
	v19 =	vadd.f32 v37, v54  }
0x168: {  	v26 =	vadd.f32 v26, v33;
	v36 =	vmul.f32 v27, v27;
	v50 =	vadd.f32 v17, v15  }
0x169: {  	v54 =	vmul.f32 v15, v15;
	v34 =	vadd.f32 v60, v34;
	v40 =	vadd.f32 v19, v18  }
0x16a: {  	v37 =	vadd.f32 v63, v61;
	v41 =	vmul.f32 v17, v17;
	v35 =	vadd.f32 v36, v35;
	v60, _, _ =	vpop (xrf2)  }
0x16b: {  	v36 =	vadd.f32 v52, v39;
	v40 =	vadd.f32 v40, v50;
	(xrf2) =	vadd.scan.msk.f32 $0xffff, v34;
	v33 =	vmul.f32 $1.562500000e-02, v60  }
0x16c: {  	v52 =	vmul.f32 v18, v18;
	v26 =	vadd.f32 v35, v26;
	v60 =	vmul.f32 v19, v19;
	v61, _, _ =	vpop (xrf2);
	(xrf2) =	vadd.scan.msk.f32 $0xffff, v37  }
0x16d: {  	v32 =	vadd.f32 v62, v38;
	v62 =	vmul.f32 $1.562500000e-02, v61;
	v63 =	vmul.f32 v33, v33;
	(xrf2) =	vadd.scan.msk.f32 $0xffff, v40  }
0x16e: {  	v47 =	vadd.f32 v47, v9;
	v34 =	vadd.f32 v60, v52;
	(xrf2) =	vadd.scan.msk.f32 $0xffff, v26  }
0x16f: {  	v61 =	vsub.f32 v62, v63;
	v63 =	vadd.f32 v41, v54  }
0x170: {  	v32 =	vadd.f32 v32, v36;
	v50 =	vadd.f32 v57, v43  }
0x171: {  	v39 =	vmul.f32 v48, v7;
	v35 =	vadd.f32 $9.999999740e-06, v61;
	v34 =	vadd.f32 v34, v63  }
0x172: {  	v42 =	vadd.f32 v42, v8;
	v38 =	vadd.f32 v45, v9;
	v36 =	vmul.f32 v50, v6;
	(xrf2) =	vadd.scan.msk.f32 $0xffff, v32  }
0x173: {  	v39 =	vadd.f32 v39, v11;
	v62 =	vmul.f32 v55, v6;
	v35 =	vbroadcast v35, $0xF;
	(xrf2) =	vadd.scan.msk.f32 $0xffff, v34  }
0x174: {  	v40 =	vmul.f32 v51, v5;
	v52 =	vadd.f32 v57, v46;
	v36 =	vadd.f32 v36, v10  }
0x175: {  	v33 =	vbroadcast v33, $0xF;
	v60, _, _ =	vpop (xrf2);
	v57 =	vshra.s32 v35, $0x1;
	v35 =	vmul.f32 $5.000000000e-01, v35  }
0x176: {  	v26 =	vmul.f32 v58, v4;
	v48 =	vmul.f32 $1.562500000e-02, v60;
	v43 =	vsub.s32 $0x5F3759DF, v57;
	v61, _, _ =	vpop (xrf2)  }
0x177: {  	v54 =	vadd.f32 v44, v59;
	v37 =	vadd.f32 v62, v10;
	v59 =	vmul.f32 v43, v35;
	v62, _, _ =	vpop (xrf2)  }
0x178: {  	v58 =	vadd.f32 v44, v56;
	v32 =	vmul.f32 v52, v7;
	v63 =	vmul.f32 v48, v48;
	v57, _, _ =	vpop (xrf2)  }
0x179: {  	v55 =	vadd.f32 v44, v53;
	v46 =	vmul.f32 v43, v59;
	v52 =	vmul.f32 $1.562500000e-02, v57  }
0x17a: {  	v44 =	vadd.f32 v44, v49;
	v45 =	vmul.f32 v58, v6;
	v49 =	vmul.f32 $1.562500000e-02, v61  }
0x17b: {  	v41 =	vmul.f32 v54, v4;
	v46 =	vsub.f32 $1.500000000e+00, v46;
	v51 =	vsub.f32 v52, v63  }
0x17c: {  	v40 =	vadd.f32 v40, v9;
	v50 =	vmul.f32 $1.562500000e-02, v62;
	v58 =	vmul.f32 v49, v49;
	v59, _, _ =	vpop (xrf2)  }
0x17d: {  	v43 =	vmul.f32 v43, v46;
	v46 =	vmul.f32 $1.562500000e-02, v59;
	v61, _, _ =	vpop (xrf2);
	v51 =	vadd.f32 $9.999999740e-06, v51  }
0x17e: {  	v26 =	vadd.f32 v26, v8;
	v60 =	vmul.f32 v50, v50;
	v52 =	vmul.f32 $1.562500000e-02, v61  }
0x17f: {  	v44 =	vmul.f32 v44, v7;
	v46 =	vsub.f32 v46, v58;
	v51 =	vbroadcast v51, $0xF  }
0x180: {  	v34 =	vmul.f32 v55, v5;
	v35 =	vmul.f32 v43, v35;
	v52 =	vsub.f32 v52, v60  }
0x181: {  	v46 =	vadd.f32 $9.999999740e-06, v46;
	v62 =	vshra.s32 v51, $0x1;
	v51 =	vmul.f32 $5.000000000e-01, v51  }
0x182: {  	v35 =	vmul.f32 v35, v43;
	v52 =	vadd.f32 $9.999999740e-06, v52;
	v63 =	vsub.s32 $0x5F3759DF, v62  }
0x183: {  	v32 =	vadd.f32 v32, v11;
	v46 =	vbroadcast v46, $0xF;
	v53 =	vmul.f32 v63, v51  }
0x184: {  	v48 =	vbroadcast v48, $0xF;
	v35 =	vsub.f32 $1.500000000e+00, v35;
	v52 =	vbroadcast v52, $0xF  }
0x185: {  	v59 =	vshra.s32 v46, $0x1;
	v46 =	vmul.f32 $5.000000000e-01, v46;
	v53 =	vmul.f32 v63, v53  }
0x186: {  	v54 =	vsub.s32 $0x5F3759DF, v59;
	v60 =	vshra.s32 v52, $0x1;
	v52 =	vmul.f32 $5.000000000e-01, v52  }
0x187: {  	v35 =	vmul.f32 v35, v43;
	v61 =	vmul.f32 v54, v46;
	v55 =	vsub.s32 $0x5F3759DF, v60  }
0x188: {  	v49 =	vbroadcast v49, $0xF;
	v53 =	vsub.f32 $1.500000000e+00, v53;
	v62 =	vmul.f32 v55, v52  }
0x189: {  	[tilespmem:s24+$0x0] =	vst v25;
	v25 =	vadd.f32 v45, v10;
	v33 =	vmul.f32 v35, v33;
	v56 =	vmul.f32 v54, v61  }
0x18a: {  	v41 =	vadd.f32 v41, v8;
	v43 =	vmul.f32 v63, v53;
	v57 =	vmul.f32 v55, v62  }
0x18b: {  	v50 =	vbroadcast v50, $0xF;
	v30 =	vmul.f32 v35, v30;
	v33 =	vsub.f32 $0.0e+00, v33  }
0x18c: {  	v56 =	vsub.f32 $1.500000000e+00, v56;
	v63 =	vsub.f32 $1.500000000e+00, v57;
	v57 =	vmul.f32 v43, v51  }
0x18d: {  	[tilespmem:s24+$0x10] =	vst v38;
	v38 =	vadd.f32 v44, v11;
	v29 =	vmul.f32 v35, v29;
	v21 =	vmul.f32 v35, v21  }
0x18e: {  	v30 =	vadd.f32 v33, v30;
	v56 =	vmul.f32 v54, v56;
	v60 =	vmul.f32 v57, v43  }
0x18f: {  	[tilespmem:s24+$0x30] =	vst v24;
	v20 =	vmul.f32 v35, v20;
	v29 =	vadd.f32 v33, v29;
	v58 =	vmul.f32 v55, v63  }
0x190: {  	[tilespmem:s11+$0x20] =	vst v31;
	v30 =	vmul.f32 v30, v7;
	v59 =	vmul.f32 v56, v46;
	v31 =	vsub.f32 $1.500000000e+00, v60  }
0x191: {  	[tilespmem:s11+$0xFFFFFFD0] =	vst v47;
	v21 =	vadd.f32 v33, v21;
	v29 =	vmul.f32 v29, v4;
	v61 =	vmul.f32 v58, v52  }
0x192: {  	[tilespmem:s11+$0xFFFFFFC0] =	vst v42;
	v20 =	vadd.f32 v33, v20;
	v62 =	vmul.f32 v59, v56;
	v31 =	vmul.f32 v31, v43  }
0x193: {  	[tilespmem:s11+$0xFFFFFFF0] =	vst v39;
	v24 =	vadd.f32 v34, v9;
	v21 =	vmul.f32 v21, v5;
	v63 =	vmul.f32 v61, v58  }
0x194: {  	[tilespmem:s11+$0xFFFFFFA0] =	vst v36;
	v20 =	vmul.f32 v20, v6;
	v44 =	vsub.f32 $1.500000000e+00, v62;
	v52 =	vmul.f32 v31, v48  }
0x195: {  	[tilespmem:s11+$0xFFFFFF90] =	vst v40;
	v45 =	vsub.f32 $1.500000000e+00, v63;
	v28 =	vmul.f32 v31, v28;
	v23 =	vmul.f32 v31, v23  }
0x196: {  	[tilespmem:s11+$0xFFFFFF80] =	vst v26;
	v30 =	vadd.f32 v30, v11;
	v22 =	vmul.f32 v31, v22;
	v47 =	vmul.f32 v44, v56  }
0x197: {  	[tilespmem:s11+$0xFFFFFFE0] =	vst v37;
	v46 =	vadd.f32 v29, v8;
	v27 =	vmul.f32 v31, v27;
	v53 =	vmul.f32 v45, v58  }
0x198: {  	[tilespmem:s11+$0xFFFFFFB0] =	vst v32;
	v21 =	vadd.f32 v21, v9;
	v54 =	vmul.f32 v47, v49;
	v12 =	vmul.f32 v47, v12  }
0x199: {  	[tilespmem:s11+$0x60] =	vst v25;
	v55 =	vsub.f32 $0.0e+00, v52;
	v13 =	vmul.f32 v47, v13;
	v14 =	vmul.f32 v47, v14  }
0x19a: {  	[tilespmem:s11+$0x40] =	vst v41;
	v20 =	vadd.f32 v20, v10;
	v16 =	vmul.f32 v47, v16;
	v56 =	vmul.f32 v53, v50  }
0x19b: {  	[tilespmem:s11+$0x70] =	vst v38;
	v58 =	vadd.f32 v55, v28;
	v23 =	vadd.f32 v55, v23;
	v15 =	vmul.f32 v53, v15  }
0x19c: {  	[tilespmem:s11+$0x50] =	vst v24;
	v17 =	vmul.f32 v53, v17;
	v22 =	vadd.f32 v55, v22;
	v18 =	vmul.f32 v53, v18  }
0x19d: {  	[tilespmem:s12+$0x30] =	vst v30;
	v19 =	vmul.f32 v53, v19;
	v35 =	vsub.f32 $0.0e+00, v54;
	v25 =	vmul.f32 v58, v4  }
0x19e: {  	[tilespmem:s12+$0x0] =	vst v46;
	v59 =	vadd.f32 v55, v27;
	v57 =	vsub.f32 $0.0e+00, v56;
	v23 =	vmul.f32 v23, v5  }
0x19f: {  	[tilespmem:s12+$0x10] =	vst v21;
	v60 =	vmul.f32 v22, v6;
	v12 =	vadd.f32 v35, v12;
	v61 =	vadd.f32 v25, v8  }
0x1a0: {  	[tilespmem:s12+$0x20] =	vst v20;
	v62 =	vmul.f32 v59, v7;
	v13 =	vadd.f32 v35, v13;
	v23 =	vadd.f32 v23, v9  }
0x1a1: {  	v14 =	vadd.f32 v35, v14;
	v21 =	vadd.f32 v60, v10;
	v12 =	vmul.f32 v12, v4;
	[tilespmem:s12+$0xFFFFFFC0] =	vst v61  }
0x1a2: {  	v16 =	vadd.f32 v35, v16;
	v20 =	vadd.f32 v62, v11;
	v13 =	vmul.f32 v13, v5;
	[tilespmem:s12+$0xFFFFFFD0] =	vst v23  }
0x1a3: {  	v15 =	vadd.f32 v57, v15;
	v14 =	vmul.f32 v14, v6;
	[tilespmem:s12+$0xFFFFFFE0] =	vst v21;
	v12 =	vadd.f32 v12, v8  }
0x1a4: {  	v17 =	vadd.f32 v57, v17;
	v16 =	vmul.f32 v16, v7;
	[tilespmem:s12+$0xFFFFFFF0] =	vst v20;
	v13 =	vadd.f32 v13, v9  }
0x1a5: {  	v18 =	vadd.f32 v57, v18;
	v15 =	vmul.f32 v15, v4;
	v14 =	vadd.f32 v14, v10;
	[tilespmem:s12+$0xFFFFFF80] =	vst v12  }
0x1a6: {  	v63 =	vadd.f32 v57, v19;
	v16 =	vadd.f32 v16, v11;
	v12 =	vmul.f32 v17, v5;
	[tilespmem:s12+$0xFFFFFF90] =	vst v13  }
0x1a7: {  	v15 =	vadd.f32 v15, v8;
	v13 =	vmul.f32 v18, v6;
	[tilespmem:s12+$0xFFFFFFA0] =	vst v14  }
0x1a8: {  	v14 =	vmul.f32 v63, v7;
	[tilespmem:s12+$0xFFFFFFB0] =	vst v16;
	v12 =	vadd.f32 v12, v9  }
0x1a9: {  	[tilespmem:s12+$0x40] =	vst v15;
	v13 =	vadd.f32 v13, v10  }
0x1aa: {  	v14 =	vadd.f32 v14, v11;
	[tilespmem:s12+$0x50] =	vst v12  }
0x1ab: {  	s2 =	sshll.u32 s23, $0x3;
	[tilespmem:s12+$0x60] =	vst v13  }
0x1ac: {  	s22 =	sadd.s32 s22, s16;
	p0 =	seq.s32 s21, $0x9;
	s2 =	sadd.s32 s3, s2;
	[tilespmem:s12+$0x70] =	vst v14  }
0x1ad: {  	[hbm4b:s2+s5] =	stream.linear.scatter [tilespmem:s26], [sflag:$0x3], $0x5000, $0x38;
	[tilespmem:$0x13FC0] =	vst v63  }
0x1ae: {  	s2 =	sshrl.u32 @!p0 s22, $0x3  }
0x1af: {  	s2 =	sadd.s32 @!p0 $0x28, s2  }
0x1b0: {  	s12 =	simm.s32 @!p0 $0x0;
	s11 =	sadd.s32 @!p0 s6, s2  }
0x1b1: {  	[tilespmem:s12], [sflag:$0x5] =	stream.linear.gather @!p0 [hbm4b:s11+s12], $0x140, $0x38;
	[tilespmem:$0x13FC0] =	vst v63  }
0x1b2: {  	s11 =	simm.s32 @!p0 $0x5  }
0x1b3: {  	_ =	swait.ge @!p0 [sflag:s11], $0x140  }
0x1b4: {  	[sflag:s11] =	ssyncset.done @!p0 $0x0  }
0x1b5: {  	s14 =	simm.s32 @!p0 $0x280;
	s13 =	sadd.s32 @!p0 s7, s2;
	[sflag:s11] =	ssyncadd.s32 @!p0 $0xFFFFFEC0  }
0x1b6: {  	[tilespmem:s14], [sflag:$0x5] =	stream.linear.gather @!p0 [hbm4b:s13+s12], $0x140, $0x38;
	[tilespmem:$0x13FC0] =	vst v63  }
0x1b7: {  	_ =	swait.ge @!p0 [sflag:s11], $0x140  }
0x1b8: {  	[sflag:s11] =	ssyncset.done @!p0 $0x0  }
0x1b9: {  	s2 =	sadd.s32 @!p0 s8, s2;
	s13 =	simm.s32 @!p0 $0x500;
	[sflag:s11] =	ssyncadd.s32 @!p0 $0xFFFFFEC0  }
0x1ba: {  	[tilespmem:s13], [sflag:$0x5] =	stream.linear.gather @!p0 [hbm4b:s2+s12], $0x140, $0x38;
	[tilespmem:$0x13FC0] =	vst v63  }
0x1bb: {  	_ =	swait.ge @!p0 [sflag:s11], $0x140  }
0x1bc: {  	[sflag:s11] =	ssyncset.done @!p0 $0x0  }
0x1bd: {  	s2 =	simm.s32 @!p0 $0x3;
	[sflag:s11] =	ssyncadd.s32 @!p0 $0xFFFFFEC0  }
0x1be: {  	_ =	swait.ge @!p0 [sflag:s2], $0x5000  }
0x1bf: {  	[sflag:s2] =	ssyncset.done @!p0 $0x0  }
0x1c0: {  	s11 =	simm.s32 @!p0 $0x8C0;
	[sflag:s2] =	ssyncadd.s32 @!p0 $0xFFFFB000;
	s2 =	simm.s32 @!p0 $0x140  }
0x1c1: {  	[tilespmem:s11], [sflag:$0x1] =	stream.indirect.gather @!p0 [hbm4b:s10+s2], $0x40, s12, s2, $0xb8;
	[tilespmem:$0x13FC0] =	vst v63  }
0x1c2: {  	_ =	swait.ge [sflag:s1], $0x5000  }
0x1c3: {  	[sflag:s1] =	ssyncset.done $0x0  }
0x1c4: {  	s11 =	simm.s32 $0x0;
	[sflag:s1] =	ssyncadd.s32 $0xFFFFB000  }
0x1c5: {  	v12 =	vld [tilespmem:s11+$0x3C0]  }
0x1c6: {  	s13 =	simm.s32 $0x40;
	s12 =	simm.s32 $0x0;
	v13 =	vld [tilespmem:s11+$0x640]  }
.LBB2_9:
0x1c7: {  	p0 =	sne.s32 s13, $0x4C0  }
.Ltmp3:
0x1c8: {  	_ = 	snop;
	(pc) =	sbr.rel @p0 .LBB2_9-.Ltmp3, $4  }
0x1c9: {  	_ = 	snop  }
0x1ca: {  	s2 =	sshra.s32 s13, $0x2;
	s13 =	sadd.s32 $0x40, s13;
	v14 =	vshll.u32 v12, $0x1  }
0x1cb: {  	v12 =	vld [tilespmem:s2+$0x3C0];
	v14 =	vadd.s32 v13, v14  }
0x1cc: {  	v13 =	vld [tilespmem:s2+$0x640];
	[tilespmem:s11+$0x780] =	vst v14;
	s11 =	smov.u32 s2  }
0x1cd: {  	_ =	sdelay $0x1  }
0x1ce: {  	s2 =	simm.s32 $0x3;
	v15 =	vmov s12  }
0x1cf: {  	v14 =	vmov s2;
	v15 =	vand.u32 $0xFFFFFFFC, v15;
	v12 =	vshll.u32 v12, $0x1  }
0x1d0: {  	v12 =	vadd.s32 v13, v12;
	v13 =	vbroadcast v15, $0x0  }
0x1d1: {  	s13 =	simm.s32 $0x2  }
0x1d2: {  	v15 =	vmov s13  }
0x1d3: {  	[tilespmem:s11+$0x780] =	vst v12;
	v15 =	vand.u32 $0xFFFFFFFE, v15  }
0x1d4: {  	v12 =	vld.idx.msk [tilespmem:v14+s0+$0x0], $0xffff;
	v15 =	vbroadcast v15, $0x0;
	_ =	sdelay $0x1  }
0x1d5: {  	s12 =	simm.s32 $0x1;
	s23 =	simm.s32 $0x5940;
	v13 =	vld.idx.msk [tilespmem:v13+s0+$0x0], $0xffff  }
0x1d6: {  	v14 =	vmov s12;
	v23 =	vld [tilespmem:s23+$0x0]  }
0x1d7: {  	v25 =	vld [tilespmem:s23+$0x10];
	v14 =	vand.u32 $0xFFFFFFFD, v14  }
0x1d8: {  	v28 =	vld [tilespmem:s23+$0x20];
	v14 =	vbroadcast v14, $0x0;
	v12 =	vshll.u32 v12, $0x6  }
0x1d9: {  	v16 =	vor.u32 v0, v12;
	v17 =	vor.u32 v1, v12;
	v15 =	vld.idx.msk [tilespmem:v15+s0+$0x0], $0xffff  }
0x1da: {  	v31 =	vld [tilespmem:s23+$0x30];
	v18 =	vor.u32 v2, v12;
	v12 =	vor.u32 v3, v12;
	v13 =	vshll.u32 v13, $0x6  }
0x1db: {  	v37 =	vld [tilespmem:s23+$0xFFFFFFB0];
	v19 =	vor.u32 v0, v13  }
0x1dc: {  	v63 =	vld [tilespmem:s23+$0xFFFFFFD0];
	v20 =	vor.u32 v1, v13  }
0x1dd: {  	v44 =	vld [tilespmem:s23+$0xFFFFFFE0]  }
0x1de: {  	v14 =	vld.idx.msk [tilespmem:v14+s0+$0x0], $0xffff;
	v15 =	vshll.u32 v15, $0x6  }
0x1df: {  	v27 =	vld.idx.msk [tilespmem:v12+s4+$0x0], $0xffff;
	v22 =	vor.u32 v1, v15  }
0x1e0: {  	v24 =	vor.u32 v2, v15;
	v12 =	vld.idx.msk [tilespmem:v19+s4+$0x0], $0xffff  }
0x1e1: {  	v19 =	vld.idx.msk [tilespmem:v20+s4+$0x0], $0xffff;
	v20 =	vor.u32 v0, v15  }
0x1e2: {  	v38 =	vld [tilespmem:s23+$0xFFFFFFF0];
	v15 =	vor.u32 v3, v15  }
0x1e3: {  	v39 =	vld [tilespmem:s23+$0x40]  }
0x1e4: {  	v22 =	vld.idx.msk [tilespmem:v22+s4+$0x0], $0xffff  }
0x1e5: {  	v21 =	vor.u32 v2, v13;
	v14 =	vshll.u32 v14, $0x6;
	v24 =	vld.idx.msk [tilespmem:v24+s4+$0x0], $0xffff  }
0x1e6: {  	v26 =	vor.u32 v0, v14;
	v20 =	vld.idx.msk [tilespmem:v20+s4+$0x0], $0xffff  }
0x1e7: {  	v30 =	vor.u32 v2, v14;
	v15 =	vld.idx.msk [tilespmem:v15+s4+$0x0], $0xffff  }
0x1e8: {  	v40 =	vld [tilespmem:s23+$0x50];
	v13 =	vor.u32 v3, v13  }
0x1e9: {  	v17 =	vld.idx.msk [tilespmem:v17+s4+$0x0], $0xffff  }
0x1ea: {  	v29 =	vor.u32 v1, v14;
	v14 =	vor.u32 v3, v14;
	v21 =	vld.idx.msk [tilespmem:v21+s4+$0x0], $0xffff  }
0x1eb: {  	v33 =	vld.idx.msk [tilespmem:v26+s4+$0x0], $0xffff;
	v25 =	vadd.f32 v22, v25;
	v24 =	vadd.f32 v24, v28  }
0x1ec: {  	v34 =	vld.idx.msk [tilespmem:v30+s4+$0x0], $0xffff;
	v26 =	vadd.f32 v20, v23;
	v30 =	vadd.f32 v15, v31  }
0x1ed: {  	v32 =	vld.idx.msk [tilespmem:v13+s4+$0x0], $0xffff;
	v35 =	vmul.f32 v24, v24  }
0x1ee: {  	v13 =	vld [tilespmem:s23+$0xFFFFFF80];
	v20 =	vmul.f32 v25, v25;
	v22 =	vadd.f32 v25, v26;
	v28 =	vadd.f32 v30, v24  }
0x1ef: {  	v23 =	vld.idx.msk [tilespmem:v14+s4+$0x0], $0xffff;
	v14 =	vmul.f32 v26, v26;
	v36 =	vmul.f32 v30, v30  }
0x1f0: {  	v29 =	vld.idx.msk [tilespmem:v29+s4+$0x0], $0xffff;
	v22 =	vadd.f32 v28, v22  }
0x1f1: {  	v28 =	vld [tilespmem:s23+$0xFFFFFFC0];
	v14 =	vadd.f32 v20, v14;
	v20 =	vadd.f32 v36, v35  }
0x1f2: {  	v15 =	vld [tilespmem:s23+$0xFFFFFF90]  }
0x1f3: {  	v31 =	vld [tilespmem:s23+$0xFFFFFFA0];
	(xrf2) =	vadd.scan.msk.f32 $0xffff, v22;
	v14 =	vadd.f32 v20, v14  }
0x1f4: {  	v16 =	vld.idx.msk [tilespmem:v16+s4+$0x0], $0xffff  }
0x1f5: {  	v18 =	vld.idx.msk [tilespmem:v18+s4+$0x0], $0xffff;
	(xrf2) =	vadd.scan.msk.f32 $0xffff, v14  }
0x1f6: {  	v17 =	vadd.f32 v17, v40;
	v22 =	vadd.f32 v33, v28;
	v28 =	vld [tilespmem:s23+$0x60]  }
0x1f7: {  	v12 =	vadd.f32 v12, v13;
	v13 =	vadd.f32 v19, v15  }
0x1f8: {  	s15 =	simm.s32 $0x7;
	v14 =	vadd.f32 v21, v31;
	v21 =	vadd.f32 v29, v63;
	v29 =	vld [tilespmem:s23+$0x70]  }
0x1f9: {  	v52 =	vmov s15;
	v19 =	vadd.f32 v32, v37;
	v23 =	vadd.f32 v23, v38  }
0x1fa: {  	v55 =	vmul.f32 v17, v17;
	v15 =	vadd.f32 v16, v39;
	v20 =	vadd.f32 v34, v44  }
0x1fb: {  	v45 =	vmul.f32 v12, v12;
	v16 =	vadd.f32 v18, v28;
	v28 =	vadd.f32 v13, v12  }
0x1fc: {  	s14 =	simm.s32 $0x4;
	v46 =	vmul.f32 v13, v13;
	v39 =	vadd.f32 v17, v15;
	v36 =	vadd.f32 v23, v20  }
0x1fd: {  	v31 =	vmov s14;
	v18 =	vadd.f32 v27, v29;
	v27 =	vadd.f32 v19, v14;
	v29, _, _ =	vpop (xrf2)  }
0x1fe: {  	v50 =	vmul.f32 v20, v20;
	v47 =	vadd.f32 v21, v22;
	v43 =	vmul.f32 $1.562500000e-02, v29  }
0x1ff: {  	v31 =	vand.u32 $0xFFFFFFFC, v31;
	v49 =	vmul.f32 v21, v21;
	v27 =	vadd.f32 v27, v28;
	v28, _, _ =	vpop (xrf2)  }
0x200: {  	v34 =	vadd.f32 v36, v47;
	v28 =	vmul.f32 $1.562500000e-02, v28;
	v53 =	vmul.f32 v43, v43  }
0x201: {  	v32 =	vadd.f32 v46, v45;
	v41 =	vmul.f32 v14, v14;
	v48 =	vmul.f32 v22, v22  }
0x202: {  	v31 =	vbroadcast v31, $0x0;
	(xrf2) =	vadd.scan.msk.f32 $0xffff, v34;
	v29 =	vmul.f32 v23, v23;
	v28 =	vsub.f32 v28, v53  }
0x203: {  	v35 =	vadd.f32 v49, v48;
	v51 =	vadd.f32 v18, v16;
	(xrf2) =	vadd.scan.msk.f32 $0xffff, v27;
	v27 =	vmul.f32 v19, v19  }
0x204: {  	v56 =	vmul.f32 v16, v16;
	v29 =	vadd.f32 v29, v50;
	v28 =	vadd.f32 $9.999999740e-06, v28  }
0x205: {  	v57 =	vmul.f32 v18, v18;
	v36 =	vadd.f32 v51, v39;
	v27 =	vadd.f32 v27, v41  }
0x206: {  	v54 =	vmul.f32 v15, v15;
	v29 =	vadd.f32 v29, v35;
	v28 =	vbroadcast v28, $0xF  }
0x207: {  	v60 =	vadd.f32 v57, v56;
	(xrf2) =	vadd.scan.msk.f32 $0xffff, v36;
	v27 =	vadd.f32 v27, v32  }
0x208: {  	(xrf2) =	vadd.scan.msk.f32 $0xffff, v29;
	v29 =	vadd.f32 v55, v54;
	v61 =	vshra.s32 v28, $0x1;
	v62 =	vmul.f32 $5.000000000e-01, v28  }
0x209: {  	s17 =	simm.s32 $0x5;
	v31 =	vld.idx.msk [tilespmem:v31+s0+$0x0], $0xffff;
	(xrf2) =	vadd.scan.msk.f32 $0xffff, v27;
	v63 =	vsub.s32 $0x5F3759DF, v61  }
0x20a: {  	v58 =	vmov s17;
	v59 =	vld.idx.msk [tilespmem:v52+s0+$0x0], $0xffff;
	v28 =	vadd.f32 v60, v29;
	v29 =	vmul.f32 v63, v62  }
0x20b: {  	v33 =	vand.u32 $0xFFFFFFFD, v58  }
0x20c: {  	v33 =	vbroadcast v33, $0x0;
	v29 =	vmul.f32 v63, v29;
	_ =	sdelay $0x1  }
0x20d: {  	v31 =	vshll.u32 v31, $0x6;
	v27, _, _ =	vpop (xrf2);
	(xrf2) =	vadd.scan.msk.f32 $0xffff, v28;
	v29 =	vsub.f32 $1.500000000e+00, v29  }
0x20e: {  	v51 =	vbroadcast v43, $0xF;
	v32 =	vshll.u32 v59, $0x6;
	v42 =	vor.u32 v0, v31  }
0x20f: {  	v40 =	vor.u32 v1, v31;
	v39 =	vor.u32 v2, v31;
	v27 =	vmul.f32 $1.562500000e-02, v27;
	v52, _, _ =	vpop (xrf2)  }
0x210: {  	v41 =	vor.u32 v3, v31;
	v48 =	vor.u32 v0, v32;
	v34 =	vmul.f32 $1.562500000e-02, v52;
	v54, _, _ =	vpop (xrf2)  }
0x211: {  	v33 =	vld.idx.msk [tilespmem:v33+s0+$0x0], $0xffff;
	v35 =	vor.u32 v1, v32;
	v53 =	vmul.f32 v27, v27;
	v45 =	vmul.f32 v63, v29;
	v29, _, _ =	vpop (xrf2)  }
0x212: {  	v36 =	vor.u32 v2, v32;
	v44 =	vmul.f32 v34, v34;
	v56 =	vmul.f32 $1.562500000e-02, v29;
	v58, _, _ =	vpop (xrf2)  }
0x213: {  	v37 =	vor.u32 v3, v32;
	v57 =	vmul.f32 v45, v62;
	v59 =	vmul.f32 $1.562500000e-02, v58  }
0x214: {  	v27 =	vbroadcast v27, $0xF;
	v55 =	vmul.f32 $1.562500000e-02, v54;
	v47 =	vsub.f32 v56, v53  }
0x215: {  	v28 =	vbroadcast v34, $0xF;
	v49 =	vmul.f32 v57, v45;
	v44 =	vsub.f32 v59, v44  }
0x216: {  	v34 =	vshll.u32 v33, $0x6;
	v46 =	vmul.f32 v55, v55;
	v31 =	vadd.f32 $9.999999740e-06, v47  }
0x217: {  	v29 =	vbroadcast v55, $0xF;
	v61, _, _ =	vpop (xrf2);
	v60 =	vsub.f32 $1.500000000e+00, v49;
	v50 =	vadd.f32 $9.999999740e-06, v44  }
0x218: {  	v38 =	vor.u32 v0, v34;
	v49 =	vmul.f32 $1.562500000e-02, v61;
	v31 =	vbroadcast v31, $0xF  }
0x219: {  	v32 =	vor.u32 v1, v34;
	v44 =	vmul.f32 v60, v45;
	v52 =	vbroadcast v50, $0xF  }
0x21a: {  	v62 =	vshra.s32 v31, $0x1;
	v43 =	vmul.f32 $5.000000000e-01, v31;
	v31 =	vsub.f32 v49, v46  }
0x21b: {  	v33 =	vor.u32 v2, v34;
	v63 =	vmul.f32 v44, v51;
	v47 =	vmul.f32 v44, v26  }
0x21c: {  	s24 =	simm.s32 $0x6;
	v30 =	vmul.f32 v44, v30;
	v46 =	vsub.s32 $0x5F3759DF, v62;
	v26 =	vadd.f32 $9.999999740e-06, v31  }
0x21d: {  	v45 =	vsub.f32 $0.0e+00, v63;
	v53 =	vshra.s32 v52, $0x1;
	v31 =	vmov s24  }
0x21e: {  	v49 =	vmul.f32 v46, v43;
	v31 =	vand.u32 $0xFFFFFFFE, v31;
	v54 =	vbroadcast v26, $0xF  }
0x21f: {  	v51 =	vadd.f32 v45, v30;
	v50 =	vbroadcast v31, $0x0;
	v31 =	vmul.f32 $5.000000000e-01, v52  }
0x220: {  	s11 =	simm.s32 $0x5940;
	s12 =	simm.s32 $0x8;
	v26 =	vld.idx.msk [tilespmem:v48+s4+$0x0], $0xffff;
	v48 =	vsub.s32 $0x5F3759DF, v53;
	v52 =	vshra.s32 v54, $0x1;
	v30 =	vmul.f32 $5.000000000e-01, v54  }
.LBB2_11:
0x221: {  	p0 =	slt.u32 s12, $0x13C;
	v35 =	vld.idx.msk [tilespmem:v35+s4+$0x0], $0xffff;
	v53 =	vmul.f32 v48, v31;
	v51 =	vmul.f32 v51, v7;
	v52 =	vsub.s32 $0x5F3759DF, v52  }
0x222: {  	v49 =	vmul.f32 v46, v49;
	v47 =	vadd.f32 v45, v47;
	v36 =	vld.idx.msk [tilespmem:v36+s4+$0x0], $0xffff;
	v54 =	vmul.f32 v52, v30  }
0x223: {  	v25 =	vmul.f32 v44, v25;
	v37 =	vld.idx.msk [tilespmem:v37+s4+$0x0], $0xffff;
	v53 =	vmul.f32 v48, v53;
	v51 =	vadd.f32 v51, v11  }
0x224: {  	v24 =	vmul.f32 v44, v24;
	v49 =	vsub.f32 $1.500000000e+00, v49;
	v42 =	vld.idx.msk [tilespmem:v42+s4+$0x0], $0xffff;
	v44 =	vmul.f32 v52, v54  }
0x225: {  	v47 =	vmul.f32 v47, v4;
	v25 =	vadd.f32 v45, v25;
	v50 =	vld.idx.msk [tilespmem:v50+s0+$0x0], $0xffff;
	v53 =	vsub.f32 $1.500000000e+00, v53;
	[tilespmem:s23+$0x30] =	vst v51  }
0x226: {  	v24 =	vadd.f32 v45, v24;
	v46 =	vmul.f32 v46, v49;
	v40 =	vld.idx.msk [tilespmem:v40+s4+$0x0], $0xffff;
	v44 =	vsub.f32 $1.500000000e+00, v44  }
0x227: {  	v47 =	vadd.f32 v47, v8;
	v25 =	vmul.f32 v25, v5;
	v45 =	vld.idx.msk [tilespmem:v39+s4+$0x0], $0xffff;
	v48 =	vmul.f32 v48, v53  }
0x228: {  	v34 =	vor.u32 v3, v34;
	v39 =	vld.idx.msk [tilespmem:v41+s4+$0x0], $0xffff;
	v41 =	vmul.f32 v46, v43;
	v43 =	vmul.f32 v52, v44  }
0x229: {  	v24 =	vmul.f32 v24, v6;
	v25 =	vadd.f32 v25, v9;
	v31 =	vmul.f32 v48, v31;
	[tilespmem:s23+$0x0] =	vst v47  }
0x22a: {  	v44 =	vld.idx.msk [tilespmem:v38+s4+$0x0], $0xffff;
	v38 =	vmul.f32 v41, v46;
	v30 =	vmul.f32 v43, v30  }
0x22b: {  	v24 =	vadd.f32 v24, v10;
	v41 =	vld.idx.msk [tilespmem:v32+s4+$0x0], $0xffff;
	v32 =	vshll.u32 v50, $0x6;
	v31 =	vmul.f32 v31, v48;
	[tilespmem:s23+$0x10] =	vst v25  }
0x22c: {  	v47 =	vld.idx.msk [tilespmem:v33+s4+$0x0], $0xffff;
	v25 =	vor.u32 v0, v32;
	v33 =	vsub.f32 $1.500000000e+00, v38;
	v30 =	vmul.f32 v30, v43  }
0x22d: {  	s23 =	sadd.s32 $0x100, s23;
	v38 =	vmov s12;
	v50 =	vor.u32 v1, v32;
	v49 =	vld.idx.msk [tilespmem:v34+s4+$0x0], $0xffff;
	v31 =	vsub.f32 $1.500000000e+00, v31;
	[tilespmem:s11+$0x20] =	vst v24  }
0x22e: {  	s2 =	sadd.s32 $0x3, s12;
	v51 =	vor.u32 v2, v32;
	v24 =	vld [tilespmem:s23+$0x0];
	v46 =	vmul.f32 v33, v46;
	v30 =	vsub.f32 $1.500000000e+00, v30  }
0x22f: {  	v53 =	vor.u32 v3, v32;
	v34 =	vmov s2;
	v52 =	vld [tilespmem:s23+$0x10];
	v31 =	vmul.f32 v31, v48  }
0x230: {  	s2 =	sadd.s32 $0x1, s12;
	v33 =	vand.u32 $0xFFFFFFFC, v38;
	v48 =	vld [tilespmem:s23+$0x20];
	v27 =	vmul.f32 v46, v27;
	v30 =	vmul.f32 v30, v43  }
0x231: {  	v32 =	vmov s2;
	v22 =	vmul.f32 v46, v22;
	v25 =	vld.idx.msk [tilespmem:v25+s4+$0x0], $0xffff;
	v28 =	vmul.f32 v31, v28  }
0x232: {  	v21 =	vmul.f32 v46, v21;
	v43 =	vld.idx.msk [tilespmem:v50+s4+$0x0], $0xffff;
	v50 =	vsub.f32 $0.0e+00, v27;
	v27 =	vmul.f32 v30, v29  }
0x233: {  	v20 =	vmul.f32 v46, v20;
	v23 =	vmul.f32 v46, v23;
	v51 =	vld.idx.msk [tilespmem:v51+s4+$0x0], $0xffff;
	v28 =	vsub.f32 $0.0e+00, v28  }
0x234: {  	v12 =	vmul.f32 v31, v12;
	v13 =	vmul.f32 v31, v13;
	v46 =	vld.idx.msk [tilespmem:v53+s4+$0x0], $0xffff;
	v27 =	vsub.f32 $0.0e+00, v27  }
0x235: {  	v54 =	vmul.f32 v31, v14;
	v55 =	vmul.f32 v31, v19;
	v14 =	vadd.f32 v50, v22;
	v53 =	vld [tilespmem:s23+$0x30]  }
0x236: {  	v56 =	vmul.f32 v30, v15;
	v57 =	vmul.f32 v30, v17;
	v21 =	vadd.f32 v50, v21;
	v19 =	vld [tilespmem:s23+$0xFFFFFF80]  }
0x237: {  	v58 =	vmul.f32 v30, v16;
	v38 =	vmul.f32 v30, v18;
	v17 =	vadd.f32 v50, v20;
	v15 =	vld [tilespmem:s23+$0xFFFFFF90]  }
0x238: {  	v18 =	vadd.f32 v50, v23;
	v59 =	vadd.f32 v28, v12;
	v29 =	vmul.f32 v14, v4;
	v16 =	vld [tilespmem:s23+$0xFFFFFFA0]  }
0x239: {  	v30 =	vadd.f32 v25, v24;
	v25 =	vadd.f32 v43, v52;
	v43 =	vmul.f32 v21, v5;
	v23 =	vld [tilespmem:s23+$0xFFFFFFB0]  }
0x23a: {  	v24 =	vadd.f32 v51, v48;
	v20 =	vld [tilespmem:s23+$0xFFFFFFC0];
	v31 =	vadd.f32 v46, v53;
	v46 =	vmul.f32 v17, v6  }
0x23b: {  	v12 =	vadd.f32 v42, v19;
	v17 =	vld [tilespmem:s23+$0xFFFFFFD0];
	v19 =	vmul.f32 v30, v30;
	v42 =	vadd.f32 v28, v13  }
0x23c: {  	v21 =	vmul.f32 v25, v25;
	v22 =	vadd.f32 v25, v30;
	v48 =	vld [tilespmem:s23+$0xFFFFFFE0];
	v50 =	vadd.f32 v31, v24  }
0x23d: {  	v13 =	vadd.f32 v40, v15;
	v40 =	vmul.f32 v24, v24;
	v51 =	vmul.f32 v31, v31;
	v15 =	vld [tilespmem:s23+$0xFFFFFFF0]  }
0x23e: {  	v14 =	vadd.f32 v45, v16;
	v45 =	vmul.f32 v12, v12;
	v16 =	vadd.f32 v50, v22;
	v50 =	vld [tilespmem:s23+$0x40]  }
0x23f: {  	v19 =	vadd.f32 v21, v19;
	v52 =	vmul.f32 v13, v13;
	v40 =	vadd.f32 v51, v40;
	v51 =	vld [tilespmem:s23+$0x50]  }
0x240: {  	v53 =	vmul.f32 v14, v14;
	v22 =	vadd.f32 v44, v20;
	v21 =	vadd.f32 v41, v17;
	v41 =	vld [tilespmem:s23+$0x60];
	(xrf2) =	vadd.scan.msk.f32 $0xffff, v16  }
0x241: {  	v44 =	vmul.f32 v18, v7;
	v16 =	vadd.f32 v40, v19;
	v20 =	vadd.f32 v47, v48;
	v40 =	vld [tilespmem:s23+$0x70]  }
0x242: {  	v19 =	vadd.f32 v39, v23;
	v39 =	vmul.f32 v22, v22;
	v23 =	vadd.f32 v49, v15  }
0x243: {  	v47 =	vmul.f32 v21, v21;
	v48 =	vmul.f32 v20, v20;
	v15 =	vadd.f32 v26, v50;
	(xrf2) =	vadd.scan.msk.f32 $0xffff, v16  }
0x244: {  	v49 =	vadd.f32 v21, v22;
	v26 =	vmul.f32 v23, v23;
	v17 =	vadd.f32 v35, v51  }
0x245: {  	v35 =	vmul.f32 v19, v19;
	v50 =	vadd.f32 v23, v20;
	v16 =	vadd.f32 v36, v41  }
0x246: {  	v36 =	vadd.f32 v13, v12;
	v18 =	vadd.f32 v37, v40;
	v37 =	vmul.f32 v15, v15  }
0x247: {  	v40 =	vadd.f32 v19, v14;
	v41 =	vmul.f32 v17, v17;
	v51 =	vadd.f32 v17, v15  }
0x248: {  	v60 =	vmul.f32 v16, v16;
	v61 =	vmul.f32 v18, v18;
	v62 =	vadd.f32 v18, v16  }
0x249: {  	v39 =	vadd.f32 v47, v39;
	v47 =	vmul.f32 v59, v4;
	v49 =	vadd.f32 v50, v49  }
0x24a: {  	v42 =	vmul.f32 v42, v5;
	v36 =	vadd.f32 v40, v36;
	v40 =	vadd.f32 v26, v48;
	v34 =	vld.idx.msk [tilespmem:v34+s0+$0x0], $0xffff;
	v26, _, _ =	vpop (xrf2)  }
0x24b: {  	v33 =	vbroadcast v33, $0x0;
	v45 =	vadd.f32 v52, v45;
	v35 =	vadd.f32 v35, v53;
	(xrf2) =	vadd.scan.msk.f32 $0xffff, v49  }
0x24c: {  	v37 =	vadd.f32 v41, v37;
	v48 =	vadd.f32 v62, v51;
	v26 =	vmul.f32 $1.562500000e-02, v26  }
0x24d: {  	v32 =	vand.u32 $0xFFFFFFFD, v32;
	v39 =	vadd.f32 v40, v39;
	v40 =	vadd.f32 v61, v60;
	v41, _, _ =	vpop (xrf2)  }
0x24e: {  	v35 =	vadd.f32 v35, v45;
	v45 =	vmul.f32 v26, v26;
	v41 =	vmul.f32 $1.562500000e-02, v41;
	(xrf2) =	vadd.scan.msk.f32 $0xffff, v36  }
0x24f: {  	v32 =	vbroadcast v32, $0x0;
	v36 =	vadd.f32 v40, v37;
	v37 =	vadd.f32 v28, v54  }
0x250: {  	v28 =	vadd.f32 v28, v55;
	v34 =	vshll.u32 v34, $0x6;
	v40 =	vsub.f32 v41, v45  }
0x251: {  	v37 =	vmul.f32 v37, v6;
	v41 =	vadd.f32 v27, v56;
	v45 =	vadd.f32 v27, v57;
	(xrf2) =	vadd.scan.msk.f32 $0xffff, v48  }
0x252: {  	v28 =	vmul.f32 v28, v7;
	v48 =	vadd.f32 v27, v58;
	v49 =	vadd.f32 $9.999999740e-06, v40  }
0x253: {  	v27 =	vadd.f32 v27, v38;
	v41 =	vmul.f32 v41, v4;
	v45 =	vmul.f32 v45, v5  }
0x254: {  	v29 =	vadd.f32 v29, v8;
	v38 =	vbroadcast v49, $0xF;
	(xrf2) =	vadd.scan.msk.f32 $0xffff, v39;
	v39 =	vmul.f32 v48, v6  }
0x255: {  	v43 =	vadd.f32 v43, v9;
	v46 =	vadd.f32 v46, v10;
	v48 =	vmul.f32 v27, v7;
	v40, _, _ =	vpop (xrf2)  }
0x256: {  	v27 =	vmul.f32 $1.562500000e-02, v40;
	v40 =	vshra.s32 v38, $0x1;
	v38 =	vmul.f32 $5.000000000e-01, v38;
	[tilespmem:s11+$0xFFFFFFC0] =	vst v29  }
0x257: {  	v29 =	vsub.s32 $0x5F3759DF, v40;
	(xrf2) =	vadd.scan.msk.f32 $0xffff, v35;
	v35 =	vadd.f32 v47, v8;
	v40 =	vadd.f32 v44, v11  }
0x258: {  	v42 =	vadd.f32 v42, v9;
	v44 =	vmul.f32 v27, v27;
	v47 =	vmul.f32 v29, v38;
	v49, _, _ =	vpop (xrf2);
	[tilespmem:s11+$0xFFFFFFD0] =	vst v43  }
0x259: {  	v37 =	vadd.f32 v37, v10;
	v27 =	vbroadcast v27, $0xF;
	v33 =	vld.idx.msk [tilespmem:v33+s0+$0x0], $0xffff;
	v43 =	vmul.f32 $1.562500000e-02, v49;
	[tilespmem:s11+$0xFFFFFFE0] =	vst v46  }
0x25a: {  	v41 =	vadd.f32 v41, v8;
	v46 =	vmul.f32 v29, v47;
	(xrf2) =	vadd.scan.msk.f32 $0xffff, v36;
	v47 =	vadd.f32 v28, v11  }
0x25b: {  	v45 =	vadd.f32 v45, v9;
	v28 =	vbroadcast v43, $0xF;
	v43 =	vmul.f32 v43, v43;
	v36, _, _ =	vpop (xrf2);
	[tilespmem:s11+$0xFFFFFFF0] =	vst v40  }
0x25c: {  	v49 =	vadd.f32 v39, v10;
	v32 =	vld.idx.msk [tilespmem:v32+s0+$0x0], $0xffff;
	v40 =	vsub.f32 $1.500000000e+00, v46;
	v46 =	vmul.f32 $1.562500000e-02, v36;
	[tilespmem:s11+$0xFFFFFF80] =	vst v35  }
0x25d: {  	v52 =	vor.u32 v0, v34;
	v48 =	vadd.f32 v48, v11;
	v35 =	vor.u32 v1, v34;
	[tilespmem:s11+$0xFFFFFF90] =	vst v42  }
0x25e: {  	v36 =	vor.u32 v2, v34;
	v50 =	vmul.f32 v29, v40;
	v51 =	vmul.f32 v46, v46;
	v29, _, _ =	vpop (xrf2);
	[tilespmem:s11+$0xFFFFFFA0] =	vst v37  }
0x25f: {  	v33 =	vshll.u32 v33, $0x6;
	v53 =	vmul.f32 $1.562500000e-02, v29;
	v29 =	vbroadcast v46, $0xF;
	[tilespmem:s11+$0xFFFFFFB0] =	vst v47  }
0x260: {  	v37 =	vor.u32 v3, v34;
	v42 =	vor.u32 v0, v33;
	v38 =	vmul.f32 v50, v38;
	[tilespmem:s11+$0x40] =	vst v41  }
0x261: {  	v40 =	vor.u32 v1, v33;
	v39 =	vor.u32 v2, v33;
	v44 =	vsub.f32 v53, v44;
	v41, _, _ =	vpop (xrf2);
	[tilespmem:s11+$0x50] =	vst v45  }
0x262: {  	v34 =	vshll.u32 v32, $0x6;
	v45 =	vmul.f32 $1.562500000e-02, v41;
	v47 =	vmul.f32 v38, v50;
	[tilespmem:s11+$0x60] =	vst v49  }
0x263: {  	v41 =	vor.u32 v3, v33;
	v38 =	vor.u32 v0, v34;
	v44 =	vadd.f32 $9.999999740e-06, v44;
	[tilespmem:s11+$0x70] =	vst v48;
	s11 =	smov.u32 s23  }
0x264: {  	v32 =	vor.u32 v1, v34;
	v43 =	vsub.f32 v45, v43;
	v45 =	vsub.f32 $1.500000000e+00, v47;
	v46, _, _ =	vpop (xrf2)  }
0x265: {  	v33 =	vor.u32 v2, v34;
	v47 =	vbroadcast v44, $0xF;
	v46 =	vmul.f32 $1.562500000e-02, v46  }
0x266: {  	v26 =	vbroadcast v26, $0xF;
	v48 =	vadd.f32 $9.999999740e-06, v43;
	v44 =	vmul.f32 v45, v50  }
0x267: {  	v45 =	vshra.s32 v47, $0x1;
	v43 =	vmul.f32 $5.000000000e-01, v47;
	v50 =	vsub.f32 v46, v51  }
0x268: {  	v48 =	vbroadcast v48, $0xF;
	v46 =	vsub.s32 $0x5F3759DF, v45;
	v26 =	vmul.f32 v44, v26  }
.Ltmp4:
0x269: {  	s2 =	sadd.s32 $0x2, s12;
	v47 =	vmul.f32 v44, v30;
	v49 =	vmul.f32 v46, v43;
	v30 =	vadd.f32 $9.999999740e-06, v50;
	(pc) =	sbr.rel @p0 .LBB2_11-.Ltmp4, $4  }
0x26a: {  	v50 =	vmov s2;
	v45 =	vsub.f32 $0.0e+00, v26;
	v26 =	vmul.f32 v44, v31  }
0x26b: {  	v31 =	vand.u32 $0xFFFFFFFE, v50;
	v53 =	vshra.s32 v48, $0x1;
	v30 =	vbroadcast v30, $0xF  }
0x26c: {  	v50 =	vbroadcast v31, $0x0;
	v31 =	vmul.f32 $5.000000000e-01, v48;
	v51 =	vadd.f32 v45, v26  }
0x26d: {  	s12 =	sadd.s32 $0x4, s12;
	v48 =	vsub.s32 $0x5F3759DF, v53;
	v26 =	vld.idx.msk [tilespmem:v52+s4+$0x0], $0xffff;
	v52 =	vshra.s32 v30, $0x1;
	v30 =	vmul.f32 $5.000000000e-01, v30  }
0x26e: {  	_ =	sdelay $0x2  }
0x26f: {  	v53 =	vmul.f32 v48, v31  }
0x270: {  	v49 =	vmul.f32 v46, v49;
	v50 =	vld.idx.msk [tilespmem:v50+s0+$0x0], $0xffff  }
0x271: {  	v52 =	vsub.s32 $0x5F3759DF, v52;
	v53 =	vmul.f32 v48, v53  }
0x272: {  	v35 =	vld.idx.msk [tilespmem:v35+s4+$0x0], $0xffff;
	v54 =	vmul.f32 v52, v30;
	v49 =	vsub.f32 $1.500000000e+00, v49  }
0x273: {  	v36 =	vld.idx.msk [tilespmem:v36+s4+$0x0], $0xffff;
	v51 =	vmul.f32 v51, v7;
	v53 =	vsub.f32 $1.500000000e+00, v53  }
0x274: {  	v42 =	vld.idx.msk [tilespmem:v42+s4+$0x0], $0xffff;
	v47 =	vadd.f32 v45, v47;
	v54 =	vmul.f32 v52, v54;
	v46 =	vmul.f32 v46, v49  }
0x275: {  	v40 =	vld.idx.msk [tilespmem:v40+s4+$0x0], $0xffff;
	v25 =	vmul.f32 v44, v25;
	v50 =	vshll.u32 v50, $0x6;
	v48 =	vmul.f32 v48, v53  }
0x276: {  	v39 =	vld.idx.msk [tilespmem:v39+s4+$0x0], $0xffff;
	v60 =	vsub.f32 $1.500000000e+00, v54;
	v43 =	vmul.f32 v46, v43;
	v61 =	vor.u32 v0, v50  }
0x277: {  	v41 =	vld.idx.msk [tilespmem:v41+s4+$0x0], $0xffff;
	s12 =	sadd.s32 $0x100, s23;
	v63 =	vor.u32 v1, v50;
	v55 =	vor.u32 v2, v50;
	v62 =	vmul.f32 v48, v31  }
0x278: {  	v56 =	vld [tilespmem:s12+$0x10];
	v50 =	vor.u32 v3, v50;
	v49 =	vmul.f32 v52, v60;
	v43 =	vmul.f32 v43, v46  }
0x279: {  	v24 =	vmul.f32 v44, v24;
	v44 =	vld [tilespmem:s12+$0x20];
	v25 =	vadd.f32 v45, v25;
	v31 =	vmul.f32 v62, v48  }
0x27a: {  	v47 =	vmul.f32 v47, v4;
	v54 =	vld [tilespmem:s12+$0x0];
	v60 =	vmul.f32 v49, v30;
	v43 =	vsub.f32 $1.500000000e+00, v43  }
0x27b: {  	v24 =	vadd.f32 v45, v24;
	v45 =	vmul.f32 v25, v5;
	v53 =	vld.idx.msk [tilespmem:v61+s4+$0x0], $0xffff;
	v31 =	vsub.f32 $1.500000000e+00, v31  }
0x27c: {  	v30 =	vmul.f32 v60, v49;
	v62 =	vld.idx.msk [tilespmem:v55+s4+$0x0], $0xffff;
	v43 =	vmul.f32 v43, v46  }
0x27d: {  	v34 =	vor.u32 v3, v34;
	v50 =	vld.idx.msk [tilespmem:v50+s4+$0x0], $0xffff;
	v48 =	vmul.f32 v31, v48;
	v31 =	vmul.f32 v24, v6  }
0x27e: {  	v46 =	vld.idx.msk [tilespmem:v63+s4+$0x0], $0xffff;
	v61 =	vsub.f32 $1.500000000e+00, v30;
	v27 =	vmul.f32 v43, v27;
	v22 =	vmul.f32 v43, v22  }
0x27f: {  	v25 =	vadd.f32 v47, v8;
	v63 =	vld [tilespmem:s12+$0x30];
	v47 =	vmul.f32 v43, v21;
	v55 =	vmul.f32 v43, v20  }
0x280: {  	v38 =	vld.idx.msk [tilespmem:v38+s4+$0x0], $0xffff;
	v24 =	vadd.f32 v51, v11;
	v23 =	vmul.f32 v43, v23;
	v49 =	vmul.f32 v61, v49  }
0x281: {  	v32 =	vld.idx.msk [tilespmem:v32+s4+$0x0], $0xffff;
	v28 =	vmul.f32 v48, v28;
	v27 =	vsub.f32 $0.0e+00, v27;
	v12 =	vmul.f32 v48, v12  }
0x282: {  	v33 =	vld.idx.msk [tilespmem:v33+s4+$0x0], $0xffff;
	v43 =	vmul.f32 v48, v14;
	v20 =	vadd.f32 v62, v44;
	v31 =	vadd.f32 v31, v10  }
0x283: {  	v34 =	vld.idx.msk [tilespmem:v34+s4+$0x0], $0xffff;
	v60 =	vmul.f32 v49, v29;
	v29 =	vadd.f32 v53, v54;
	v21 =	vadd.f32 v46, v56  }
0x284: {  	v14 =	vld [tilespmem:s12+$0xFFFFFF90];
	v30 =	vadd.f32 v50, v63;
	v46 =	vmul.f32 v48, v19;
	v59 =	vmul.f32 v49, v15  }
0x285: {  	v19 =	vld [tilespmem:s12+$0xFFFFFFA0];
	v57 =	vsub.f32 $0.0e+00, v28;
	v28 =	vmul.f32 v48, v13;
	v22 =	vadd.f32 v27, v22  }
0x286: {  	v50 =	vld [tilespmem:s12+$0xFFFFFFB0];
	v47 =	vadd.f32 v27, v47;
	v55 =	vadd.f32 v27, v55;
	v48 =	vmul.f32 v29, v29  }
0x287: {  	v13 =	vld [tilespmem:s12+$0xFFFFFF80];
	v61 =	vmul.f32 v21, v21;
	v62 =	vadd.f32 v21, v29;
	v63 =	vadd.f32 v30, v20  }
0x288: {  	v54 =	vld [tilespmem:s12+$0xFFFFFFC0];
	v44 =	vsub.f32 $0.0e+00, v60;
	v60 =	vmul.f32 v20, v20;
	v58 =	vmul.f32 v30, v30  }
0x289: {  	v15 =	vld [tilespmem:s12+$0xFFFFFFD0];
	v47 =	vmul.f32 v47, v5;
	v52 =	vadd.f32 v63, v62;
	v48 =	vadd.f32 v61, v48  }
0x28a: {  	v53 =	vmul.f32 v49, v17;
	v17 =	vld [tilespmem:s12+$0xFFFFFFE0];
	v51 =	vadd.f32 v58, v60;
	v58 =	vadd.f32 v57, v12  }
0x28b: {  	v56 =	vmul.f32 v49, v16;
	v60 =	vld [tilespmem:s12+$0xFFFFFFF0];
	v16 =	vadd.f32 v41, v50;
	v47 =	vadd.f32 v47, v9  }
0x28c: {  	v49 =	vmul.f32 v49, v18;
	v18 =	vld [tilespmem:s12+$0x40];
	v12 =	vadd.f32 v42, v13;
	(xrf2) =	vadd.scan.msk.f32 $0xffff, v52;
	v61 =	vadd.f32 v51, v48  }
0x28d: {  	v37 =	vld.idx.msk [tilespmem:v37+s4+$0x0], $0xffff;
	v48 =	vadd.f32 v27, v23;
	v13 =	vadd.f32 v40, v14  }
0x28e: {  	v62 =	vld [tilespmem:s12+$0x50];
	v51 =	vadd.f32 v57, v28;
	v14 =	vadd.f32 v39, v19;
	(xrf2) =	vadd.scan.msk.f32 $0xffff, v61  }
0x28f: {  	v63 =	vld [tilespmem:s12+$0x60];
	v42 =	vmul.f32 v22, v4;
	v28 =	vadd.f32 v38, v54;
	v23 =	vadd.f32 v32, v15  }
0x290: {  	v54 =	vld [tilespmem:s12+$0x70];
	v22 =	vadd.f32 v33, v17;
	v39 =	vmul.f32 v12, v12;
	v27 =	vadd.f32 v34, v60  }
0x291: {  	v15 =	vadd.f32 v26, v18;
	v52 =	vmul.f32 v13, v13;
	v38 =	vmul.f32 v14, v14  }
0x292: {  	v33 =	vmul.f32 v28, v28;
	v61 =	vadd.f32 v13, v12;
	v60 =	vadd.f32 v27, v22  }
0x293: {  	v26 =	vmul.f32 v23, v23;
	v34 =	vadd.f32 v23, v28;
	v17 =	vadd.f32 v35, v62  }
0x294: {  	v35 =	vmul.f32 v22, v22;
	v18 =	vadd.f32 v36, v63;
	v63 =	vadd.f32 v16, v14  }
0x295: {  	v62 =	vmul.f32 v16, v16;
	v26 =	vadd.f32 v26, v33;
	v19 =	vadd.f32 v37, v54  }
0x296: {  	v36 =	vmul.f32 v27, v27;
	v50 =	vadd.f32 v17, v15;
	v34 =	vadd.f32 v60, v34;
	v60, _, _ =	vpop (xrf2)  }
0x297: {  	v37 =	vadd.f32 v63, v61;
	v32 =	vadd.f32 v62, v38;
	v33 =	vmul.f32 $1.562500000e-02, v60  }
0x298: {  	v54 =	vmul.f32 v15, v15;
	v40 =	vadd.f32 v19, v18;
	v35 =	vadd.f32 v36, v35;
	v61, _, _ =	vpop (xrf2)  }
0x299: {  	v36 =	vadd.f32 v52, v39;
	v62 =	vmul.f32 $1.562500000e-02, v61;
	v63 =	vmul.f32 v33, v33  }
0x29a: {  	v52 =	vmul.f32 v18, v18;
	v40 =	vadd.f32 v40, v50;
	(xrf2) =	vadd.scan.msk.f32 $0xffff, v34;
	v60 =	vmul.f32 v19, v19  }
0x29b: {  	v41 =	vmul.f32 v17, v17;
	v26 =	vadd.f32 v35, v26;
	(xrf2) =	vadd.scan.msk.f32 $0xffff, v37;
	v61 =	vsub.f32 v62, v63  }
0x29c: {  	v32 =	vadd.f32 v32, v36;
	v34 =	vadd.f32 v60, v52;
	(xrf2) =	vadd.scan.msk.f32 $0xffff, v40  }
0x29d: {  	(xrf2) =	vadd.scan.msk.f32 $0xffff, v26;
	v63 =	vadd.f32 v41, v54;
	v35 =	vadd.f32 $9.999999740e-06, v61  }
0x29e: {  	v42 =	vadd.f32 v42, v8;
	v39 =	vmul.f32 v48, v7;
	v50 =	vadd.f32 v57, v43;
	(xrf2) =	vadd.scan.msk.f32 $0xffff, v32  }
0x29f: {  	v38 =	vadd.f32 v45, v9;
	v34 =	vadd.f32 v34, v63;
	v35 =	vbroadcast v35, $0xF  }
0x2a0: {  	v39 =	vadd.f32 v39, v11;
	v36 =	vmul.f32 v50, v6;
	v40 =	vmul.f32 v51, v5  }
0x2a1: {  	v52 =	vadd.f32 v57, v46;
	(xrf2) =	vadd.scan.msk.f32 $0xffff, v34;
	v57 =	vshra.s32 v35, $0x1;
	v35 =	vmul.f32 $5.000000000e-01, v35  }
0x2a2: {  	v36 =	vadd.f32 v36, v10;
	v62 =	vmul.f32 v55, v6;
	v43 =	vsub.s32 $0x5F3759DF, v57  }
0x2a3: {  	v33 =	vbroadcast v33, $0xF;
	v54 =	vadd.f32 v44, v59;
	v59 =	vmul.f32 v43, v35  }
0x2a4: {  	v26 =	vmul.f32 v58, v4;
	v58 =	vadd.f32 v44, v56;
	v32 =	vmul.f32 v52, v7;
	v60, _, _ =	vpop (xrf2)  }
0x2a5: {  	v55 =	vadd.f32 v44, v53;
	v48 =	vmul.f32 $1.562500000e-02, v60;
	v61, _, _ =	vpop (xrf2);
	v46 =	vmul.f32 v43, v59  }
0x2a6: {  	v44 =	vadd.f32 v44, v49;
	v37 =	vadd.f32 v62, v10;
	v62, _, _ =	vpop (xrf2);
	v49 =	vmul.f32 $1.562500000e-02, v61  }
0x2a7: {  	v45 =	vmul.f32 v58, v6;
	v63 =	vmul.f32 v48, v48;
	v57, _, _ =	vpop (xrf2);
	v46 =	vsub.f32 $1.500000000e+00, v46  }
0x2a8: {  	v40 =	vadd.f32 v40, v9;
	v52 =	vmul.f32 $1.562500000e-02, v57;
	v58 =	vmul.f32 v49, v49;
	v59, _, _ =	vpop (xrf2)  }
0x2a9: {  	v26 =	vadd.f32 v26, v8;
	v43 =	vmul.f32 v43, v46;
	v46 =	vmul.f32 $1.562500000e-02, v59  }
0x2aa: {  	v41 =	vmul.f32 v54, v4;
	v50 =	vmul.f32 $1.562500000e-02, v62;
	v51 =	vsub.f32 v52, v63  }
0x2ab: {  	v44 =	vmul.f32 v44, v7;
	v32 =	vadd.f32 v32, v11;
	v61, _, _ =	vpop (xrf2);
	v46 =	vsub.f32 v46, v58  }
0x2ac: {  	v60 =	vmul.f32 v50, v50;
	v51 =	vadd.f32 $9.999999740e-06, v51;
	v52 =	vmul.f32 $1.562500000e-02, v61  }
0x2ad: {  	v34 =	vmul.f32 v55, v5;
	v35 =	vmul.f32 v43, v35;
	v46 =	vadd.f32 $9.999999740e-06, v46  }
0x2ae: {  	v48 =	vbroadcast v48, $0xF;
	v51 =	vbroadcast v51, $0xF;
	v52 =	vsub.f32 v52, v60  }
0x2af: {  	[tilespmem:s23+$0x0] =	vst v25;
	v25 =	vadd.f32 v45, v10;
	v35 =	vmul.f32 v35, v43;
	v46 =	vbroadcast v46, $0xF  }
0x2b0: {  	v62 =	vshra.s32 v51, $0x1;
	v51 =	vmul.f32 $5.000000000e-01, v51;
	v52 =	vadd.f32 $9.999999740e-06, v52  }
0x2b1: {  	v63 =	vsub.s32 $0x5F3759DF, v62;
	v59 =	vshra.s32 v46, $0x1;
	v46 =	vmul.f32 $5.000000000e-01, v46  }
0x2b2: {  	v53 =	vmul.f32 v63, v51;
	v52 =	vbroadcast v52, $0xF;
	v54 =	vsub.s32 $0x5F3759DF, v59  }
0x2b3: {  	v49 =	vbroadcast v49, $0xF;
	v35 =	vsub.f32 $1.500000000e+00, v35;
	v61 =	vmul.f32 v54, v46  }
0x2b4: {  	v53 =	vmul.f32 v63, v53;
	v60 =	vshra.s32 v52, $0x1;
	v52 =	vmul.f32 $5.000000000e-01, v52  }
0x2b5: {  	v35 =	vmul.f32 v35, v43;
	v55 =	vsub.s32 $0x5F3759DF, v60;
	v56 =	vmul.f32 v54, v61  }
0x2b6: {  	v50 =	vbroadcast v50, $0xF;
	v53 =	vsub.f32 $1.500000000e+00, v53;
	v62 =	vmul.f32 v55, v52  }
0x2b7: {  	v33 =	vmul.f32 v35, v33;
	v30 =	vmul.f32 v35, v30;
	v56 =	vsub.f32 $1.500000000e+00, v56  }
0x2b8: {  	v41 =	vadd.f32 v41, v8;
	v43 =	vmul.f32 v63, v53;
	v57 =	vmul.f32 v55, v62  }
0x2b9: {  	v29 =	vmul.f32 v35, v29;
	v33 =	vsub.f32 $0.0e+00, v33;
	v54 =	vmul.f32 v54, v56  }
0x2ba: {  	v21 =	vmul.f32 v35, v21;
	v63 =	vsub.f32 $1.500000000e+00, v57;
	v56 =	vmul.f32 v43, v51  }
0x2bb: {  	[tilespmem:s23+$0x30] =	vst v24;
	v20 =	vmul.f32 v35, v20;
	v30 =	vadd.f32 v33, v30;
	v59 =	vmul.f32 v54, v46  }
0x2bc: {  	[tilespmem:s11+$0xFFFFFFD0] =	vst v47;
	v29 =	vadd.f32 v33, v29;
	v57 =	vmul.f32 v55, v63;
	v60 =	vmul.f32 v56, v43  }
0x2bd: {  	[tilespmem:s23+$0x10] =	vst v38;
	v21 =	vadd.f32 v33, v21;
	v20 =	vadd.f32 v33, v20;
	v62 =	vmul.f32 v59, v54  }
0x2be: {  	[tilespmem:s11+$0x20] =	vst v31;
	v30 =	vmul.f32 v30, v7;
	v61 =	vmul.f32 v57, v52;
	v31 =	vsub.f32 $1.500000000e+00, v60  }
0x2bf: {  	[tilespmem:s11+$0xFFFFFFE0] =	vst v37;
	v29 =	vmul.f32 v29, v4;
	v21 =	vmul.f32 v21, v5;
	v37 =	vsub.f32 $1.500000000e+00, v62  }
0x2c0: {  	[tilespmem:s11+$0xFFFFFFC0] =	vst v42;
	v24 =	vadd.f32 v34, v9;
	v63 =	vmul.f32 v61, v57;
	v31 =	vmul.f32 v31, v43  }
0x2c1: {  	[tilespmem:s11+$0xFFFFFFF0] =	vst v39;
	v58 =	vadd.f32 v44, v11;
	v20 =	vmul.f32 v20, v6;
	v46 =	vmul.f32 v37, v54  }
0x2c2: {  	[tilespmem:s11+$0xFFFFFFA0] =	vst v36;
	v44 =	vsub.f32 $1.500000000e+00, v63;
	v47 =	vmul.f32 v31, v48;
	v28 =	vmul.f32 v31, v28  }
0x2c3: {  	[tilespmem:s11+$0xFFFFFF90] =	vst v40;
	v30 =	vadd.f32 v30, v11;
	v23 =	vmul.f32 v31, v23;
	v22 =	vmul.f32 v31, v22  }
0x2c4: {  	[tilespmem:s11+$0xFFFFFF80] =	vst v26;
	v45 =	vadd.f32 v29, v8;
	v27 =	vmul.f32 v31, v27;
	v48 =	vmul.f32 v44, v57  }
0x2c5: {  	[tilespmem:s11+$0xFFFFFFB0] =	vst v32;
	v21 =	vadd.f32 v21, v9;
	v51 =	vmul.f32 v46, v49;
	v12 =	vmul.f32 v46, v12  }
0x2c6: {  	[tilespmem:s11+$0x60] =	vst v25;
	v52 =	vsub.f32 $0.0e+00, v47;
	v13 =	vmul.f32 v46, v13;
	v14 =	vmul.f32 v46, v14  }
0x2c7: {  	[tilespmem:s11+$0x40] =	vst v41;
	v20 =	vadd.f32 v20, v10;
	v16 =	vmul.f32 v46, v16;
	v53 =	vmul.f32 v48, v50  }
0x2c8: {  	[tilespmem:s11+$0x50] =	vst v24;
	v15 =	vmul.f32 v48, v15;
	v17 =	vmul.f32 v48, v17;
	v55 =	vadd.f32 v52, v28  }
0x2c9: {  	[tilespmem:s11+$0x70] =	vst v58;
	v18 =	vmul.f32 v48, v18;
	v19 =	vmul.f32 v48, v19;
	v23 =	vadd.f32 v52, v23  }
0x2ca: {  	[tilespmem:s12+$0x30] =	vst v30;
	v35 =	vsub.f32 $0.0e+00, v51;
	v22 =	vadd.f32 v52, v22;
	v25 =	vmul.f32 v55, v4  }
0x2cb: {  	[tilespmem:s12+$0x0] =	vst v45;
	v56 =	vadd.f32 v52, v27;
	v54 =	vsub.f32 $0.0e+00, v53;
	v23 =	vmul.f32 v23, v5  }
0x2cc: {  	[tilespmem:s12+$0x10] =	vst v21;
	v12 =	vadd.f32 v35, v12;
	v57 =	vmul.f32 v22, v6;
	v58 =	vadd.f32 v25, v8  }
0x2cd: {  	[tilespmem:s12+$0x20] =	vst v20;
	v13 =	vadd.f32 v35, v13;
	v59 =	vmul.f32 v56, v7;
	v23 =	vadd.f32 v23, v9  }
0x2ce: {  	v14 =	vadd.f32 v35, v14;
	v12 =	vmul.f32 v12, v4;
	v21 =	vadd.f32 v57, v10;
	[tilespmem:s12+$0xFFFFFFC0] =	vst v58  }
0x2cf: {  	v16 =	vadd.f32 v35, v16;
	v13 =	vmul.f32 v13, v5;
	v20 =	vadd.f32 v59, v11;
	[tilespmem:s12+$0xFFFFFFD0] =	vst v23  }
0x2d0: {  	v15 =	vadd.f32 v54, v15;
	v14 =	vmul.f32 v14, v6;
	v12 =	vadd.f32 v12, v8;
	[tilespmem:s12+$0xFFFFFFE0] =	vst v21  }
0x2d1: {  	v17 =	vadd.f32 v54, v17;
	v16 =	vmul.f32 v16, v7;
	v13 =	vadd.f32 v13, v9;
	[tilespmem:s12+$0xFFFFFFF0] =	vst v20  }
0x2d2: {  	v18 =	vadd.f32 v54, v18;
	v15 =	vmul.f32 v15, v4;
	v14 =	vadd.f32 v14, v10;
	[tilespmem:s12+$0xFFFFFF80] =	vst v12  }
0x2d3: {  	v61 =	vadd.f32 v54, v19;
	v60 =	vmul.f32 v17, v5;
	v16 =	vadd.f32 v16, v11;
	[tilespmem:s12+$0xFFFFFF90] =	vst v13  }
0x2d4: {  	s21 =	sadd.s32 $0x1, s21;
	v62 =	vmul.f32 v18, v6;
	v15 =	vadd.f32 v15, v8;
	[tilespmem:s12+$0xFFFFFFA0] =	vst v14  }
0x2d5: {  	p0 =	sne.s32 s21, $0xA;
	v63 =	vmul.f32 v61, v7;
	v12 =	vadd.f32 v60, v9;
	[tilespmem:s12+$0xFFFFFFB0] =	vst v16  }
.Ltmp5:
0x2d6: {  	v13 =	vadd.f32 v62, v10;
	[tilespmem:s12+$0x40] =	vst v15;
	(pc) =	sbr.rel @p0 .LBB2_4-.Ltmp5, $4  }
0x2d7: {  	s2 =	sshll.u32 s22, $0x3;
	v14 =	vadd.f32 v63, v11;
	[tilespmem:s12+$0x50] =	vst v12  }
0x2d8: {  	s2 =	sand.u32 $0x1FFFFE00, s2;
	[tilespmem:s12+$0x60] =	vst v13  }
0x2d9: {  	s2 =	sadd.s32 s3, s2;
	[tilespmem:s12+$0x70] =	vst v14  }
0x2da: {  	[hbm4b:s2+s5] =	stream.linear.scatter [tilespmem:s30], [sflag:$0x4], $0x5000, $0x38;
	[tilespmem:$0x13FC0] =	vst v63  }
0x2db: {  	s2 =	simm.s32 $0x3  }
0x2dc: {  	_ =	swait.ge [sflag:s2], $0x5000  }
0x2dd: {  	[sflag:s2] =	ssyncset.done $0x0  }
0x2de: {  	[sflag:s2] =	ssyncadd.s32 $0xFFFFB000  }
0x2df: {  	_ =	swait.ge [sflag:s18], $0x5000  }
0x2e0: {  	s20 =	sadd.s32 $0x1, s20;
	s24 =	rddreg [dreg:$0xa]  }
0x2e1: {  	p0 =	sne.s32 s20, s24  }
.Ltmp6:
0x2e2: {  	_ = 	snop;
	(pc) =	sbr.rel @p0 .LBB2_1-.Ltmp6, $3  }
0x2e3: {  	_ =	sdelay $0x1  }
0x2e4: {  	[sflag:s18] =	ssyncset.done $0x0  }
0x2e5: {  	[sflag:s18] =	ssyncadd.s32 $0xFFFFB000  }
0x2e6: {  	_ =	sfence.sel $0x180000  }
0x2e7: {  	[bflag:$0x0] =	sbarrier.arrive $0xFFFF  }
0x2e8: {  	_ =	strace $0x90000047  }
0x2e9: {  	s0 =	stileid.u32;
	[bflag:$0x2] =	sbarrier.arrive $0xFFFF  }
0x2ea: {  	p0 =	sne.s32 s0, $0x0;
	s0 =	rddreg [dreg:$0x4]  }
0x2eb: {  	s0 =	sadd.s32 @!p0 $0x100000, s0  }
0x2ec: {  	[sflag:s0] =	ssyncadd.tile.s32 @!p0 $0x1;
	_ =	shalt  }
.Lfunc_end2:
_tile_overlayer_lowered:
.L_overlay_start_2:
0x2ed: {  	(tag) =	ssettag $0x2  }
0x2ee: {  	s0 =	rddreg [dreg:$0x0];
	s2 =	stileid.u32  }
0x2ef: {  	s1 =	rddreg [dreg:$0x1];
	p0 =	sne.s32 s2, $0x0  }
0x2f0: {  	s3 =	rddreg [dreg:$0x2];
	[bflag:$0x3] =	sbarrier.arrive $0xFFFF;
	s2 =	simm.s32 @!p0 $0x1C05  }
0x2f1: {  	[timem:s3], [sflag:s2] =	dma.local @!p0 [hbm:s0], s1  }
0x2f2: {  	s0 =	simm.s32 @!p0 $0x5  }
0x2f3: {  	_ =	swait.ge @!p0 [sflag:s0], s1  }
0x2f4: {  	s1 =	ssub.s32 @!p0 $0x0, s1;
	[sflag:s0] =	ssyncset.done @!p0 $0x0  }
0x2f5: {  	[sflag:s0] =	ssyncadd.s32 @!p0 s1  }
0x2f6: {  	[bflag:$0x3] =	sbarrier.arrive $0xFFFF  }
0x2f7: {  	_ =	shalt  }

// kernel: sparse-core-data-format-call.cloned.1.call-start
scs
called_computation_lowered:
.L_overlay_start_0:
0x0: {  	s2 =	sld [smem:$0x3FD9]  }
0x1: {  	s3 =	sld [smem:$0x3FFE];
	_ =	sdelay $0x1  }
0x2: {  	s1 =	srdreg.scid  }
0x3: {  	s0 =	sand.u32 $0x1, s1  }
0x4: {  	s18 =	sshll.u32 s0, $0xA;
	s2 =	sadd.s32 s3, s2  }
0x5: {  	s2 =	sadd.s32 s2, s18  }
0x6: {  	[smem:$0x3FC0] =	sst s2  }
0x7: {  	_ = 	snop  }
0x8: {  	s2 =	sld [smem:$0x3FD0];
	(tm) =	ssettm $0x1  }
0x9: {  	s19 =	sld [smem:$0x3FFB];
	_ =	sdelay $0x3  }
0xa: {  	_ =	strace s19  }
0xb: {  	s3 =	sld [smem:$0x3FFC];
	_ =	sdelay $0x3  }
0xc: {  	_ =	strace s3  }
0xd: {  	s3 =	sld [smem:$0x3FFD];
	_ =	sdelay $0x3  }
0xe: {  	_ =	strace s3  }
0xf: {  	_ =	strace $0x8FFFFFFF  }
0x10: {  	s20 =	sld [smem:$0x3FDB];
	_ =	sdelay $0x1  }
0x11: {  	s4 =	simm.s32 $_scs_section_size  }
0x12: {  	s5 =	simm.s32 $_size__tile_overlayer_lowered;
	s6 =	simm.s32 $_tile_overlayer_lowered  }
0x13: {  	s23 =	simm.s32 $0x1BFF;
	s22 =	sshll.u32 s6, $0x1;
	s3 =	sadd.s32 s4, s20  }
0x14: {  	s7 =	simm.s32 $0x0;
	s21 =	sshll.u32 s5, $0x1;
	s5 =	sadd.s32 s22, s3  }
0x15: {  	[timem:s7], [sflag:s23] =	dma.local [hbm:s5], s21  }
0x16: {  	_ =	swait.ge [sflag:s23], s21  }
0x17: {  	s4 =	ssub.s32 $0x0, s21;
	[sflag:s23] =	ssyncset.done $0x0  }
0x18: {  	[sflag:s23] =	ssyncadd.s32 s4;
	_ =	sdelay $0x1  }
0x19: {  	s24 =	simm.s32 $0x1B8B  }
0x1a: {  	_ =	swait.ge [sflag:s24], $0x1  }
0x1b: {  	[sflag:s24] =	ssyncset.done $0x0  }
0x1c: {  	s26 =	simm.s32 $0x1B8E;
	s25 =	sld [smem:$0x3FFE];
	[sflag:s24] =	ssyncadd.s32 $0xFFFFFFFF  }
0x1d: {  	s27 =	simm.s32 $execute0_lowered;
	[smem:$0x3FD2] =	sst s26  }
0x1e: {  	s5 =	sshll.u32 s27, $0x1;
	_ =	strace $0x80000049;
	[dreg:$0x1] =	wrdreg $0xFFFFFFFF  }
0x1f: {  	s28 =	simm.s32 $_size_execute0_lowered;
	s3 =	sadd.s32 s3, s5;
	[dreg:$0x0] =	wrdreg $0x0  }
0x20: {  	s5 =	sshll.u32 s28, $0x1;
	[dreg:$0x2] =	wrdreg s3  }
0x21: {  	[dreg:$0x3] =	wrdreg s5  }
0x22: {  	[dreg:$0x4] =	wrdreg $0xC0  }
0x23: {  	_ =	task [dreg:s7], $0x5FFFF  }
0x24: {  	[dreg:$0x1] =	wrdreg $0xFFFFFFFF  }
0x25: {  	[dreg:$0x0] =	wrdreg $0x60  }
0x26: {  	[dreg:$0x2] =	wrdreg s25  }
0x27: {  	[dreg:$0x3] =	wrdreg s2  }
0x28: {  	[dreg:$0x4] =	wrdreg $0x9  }
0x29: {  	_ =	task.clear_ibuf [dreg:s7], $0x5FFFF;
	_ =	strace $0x90000049  }
0x2a: {  	s29 =	simm.s32 $0x9;
	_ =	strace $0x8000004B  }
0x2b: {  	_ =	swait.ge [sflag:s29], $0x1  }
0x2c: {  	[sflag:s29] =	ssyncadd.s32 $0xFFFFFFFF  }
0x2d: {  	_ =	strace $0x9000004B  }
0x2e: {  	_ =	sfence  }
0x2f: {  	s30 =	sld [smem:$0x0];
	_ =	sdelay $0x2  }
0x30: {  	s31 =	sshll.u32 s1, $0xD;
	s1 =	sshrl.u32 s1, $0x2  }
0x31: {  	s3 =	sand.u32 $0x4000, s31;
	s1 =	sadd.s32 s1, s30  }
0x32: {  	s0 =	sor.u32 s3, s0;
	s1 =	sshll.u32 s1, $0x11  }
0x33: {  	s0 =	sor.u32 s1, s0  }
0x34: {  	s0 =	sadd.s32 $0x8F2B, s0  }
0x35: {  	[sflag:s0] =	ssyncadd.remote.s32 $0x1  }
0x36: {  	_ =	sfence.sel $0xFFFF  }
0x37: {  	[dreg:$0x0] =	wrdreg $0xFFFFFFFF;
	(pc) =	sbr.abs _section_cstart, $3  }
0x38: {  	[dreg:$0x1] =	wrdreg $0xFFFFFFFF  }
0x39: {  	_ =	task.clear_ibuf [dreg:s7], $0x2FFFF;
	_ =	strace $0x9FFFFFFF  }
0x3a: {  	(tm) =	ssettm $0x7FFFFFFF  }
0x3b: {  	_ =	shalt  }
tec
execute0_lowered:
.L_overlay_start_1:
0x0: {  	(tag) =	ssettag $0x1  }
0x1: {  	s0 =	stileid.u32;
	s6 =	rddreg [dreg:$0x0]  }
0x2: {  	s2 =	rddreg [dreg:$0x1];
	s5 =	srdreg.scid  }
0x3: {  	s31 =	simm.s32 $0x2;
	s13 =	simm.s32 $0x0;
	s1 =	sshll.u32 s0, $0x7  }
0x4: {  	s14 =	simm.s32 $0x0;
	s12 =	simm.s32 $0x0;
	s3 =	sand.u32 $0x380, s1  }
0x5: {  	s5 =	sshll.u32 s5, $0x4;
	s6 =	sadd.s32 $0x1200, s6;
	s4 =	ssub.s32 $0x400, s3  }
0x6: {  	s1 =	rddreg [dreg:$0x2];
	_ =	strace $0x8000004A;
	s7 =	sand.u32 $0x380, s4  }
0x7: {  	s5 =	sand.u32 $0x10, s5;
	p0 =	sne.s32 s7, $0x0;
	s7 =	simm.s32 $0x1  }
.Ltmp0:
0x8: {  	s8 =	sshrl.u32 s4, $0xA;
	s7 =	simm.s32 @!p0 $0x0;
	(pc) =	sbr.rel .LBB1_1-.Ltmp0, $4  }
0x9: {  	s9 =	sor.u32 s0, s5;
	s4 =	simm.s32 $0x1;
	s30 =	sadd.s32 s7, s8  }
0xa: {  	s11 =	smov.u32 s3;
	[sflag:s4] =	ssyncpa.u1 $0x0;
	s5 =	smul.u32 $0x32, s30  }
0xb: {  	[sflag:s31] =	ssyncpa.u1 $0x0;
	p0 =	por $0x0, $0x0;
	s7 =	sshrl.u32 s9, $0x3  }
0xc: {  	s9 =	simm.s32 $0x2000;
	s10 =	smov.u32 s7;
	s8 =	sor.u32 $0x1, s5  }
.LBB1_4:
0xd: {  	s17 =	sand.u32 $0x1F80, s14;
	s13 =	sshll.u32 s13, $0xD  }
0xe: {  	[tilespmem:s16+$0x810 ss:$0x81] =	vst.msk $0xffff, v2;
	s18 =	sshrl.u32 s14, $0x3;
	s31 =	sand.u32 $0x7, s14;
	s17 =	sadd.s32 s2, s17  }
0xf: {  	[tilespmem:s16+$0x1020 ss:$0x81] =	vst.msk $0xffff, v0;
	s18 =	sand.u32 $0xF, s18;
	s14 =	sshll.u32 s31, $0x12;
	s13 =	sadd.s32 s13, s17  }
0x10: {  	[tilespmem:s16+$0x0 ss:$0x81] =	vst.msk $0xffff, v1;
	s14 =	sor.u32 $0x400, s14;
	s13 =	sadd.s32 s18, s13  }
0x11: {  	[hbm4b:s13+s14] =	stream.strided.scatter [tilespmem:s15], [sflag:$0x2], $0x2000, s9, s14, $0x20;
	[tilespmem:$0x8080] =	vst v63  }
.LBB1_5:
0x12: {  	s15 =	sadd.s32 $0x4, s10  }
0x13: {  	s13 =	sadd.s32 $0x400, s11;
	s17 =	smov.u32 s11;
	p2 =	sgt.s32 s15, $0xC7  }
0x14: {  	s17 =	smov.u32 @p2 s13  }
0x15: {  	s15 =	smov.u32 @p2 s7;
	p2 =	sgt.s32 s17, $0x3FF  }
0x16: {  	s17 =	smov.u32 @p2 s3;
	p2 =	sne.s32 s12, s8  }
.Ltmp1:
0x17: {  	p1 =	slt.u32 s12, $0x2;
	(pc) =	sbr.rel @!p2 .LBB1_6-.Ltmp1, $4  }
0x18: {  	s16 =	simm.s32 @!p1 $0x2  }
0x19: {  	s14 =	smov.u32 s11;
	p0 =	por !p0, !p0;
	_ =	swait.ge @!p1 [sflag:s16], $0x2000  }
0x1a: {  	s13 =	smov.u32 s10;
	[sflag:s16] =	ssyncset.done @!p1 $0x0;
	s10 =	smov.u32 s15  }
0x1b: {  	s12 =	sadd.s32 $0x1, s12;
	[sflag:s16] =	ssyncadd.s32 @!p1 $0xFFFFE000;
	s11 =	smov.u32 s17  }
.LBB1_1:
0x1c: {  	p1 =	sge.u32 s12, s5  }
0x1d: {  	s15 =	sand.u32 @!p1 $0x1FFFFFF, s10  }
0x1e: {  	s16 =	smulhi.u32 @!p1 $0x147AE15, s15;
	_ =	sdelay $0x1  }
0x1f: {  	s16 =	smul.u32 @!p1 $0xC8, s16  }
0x20: {  	s17 =	sxor.u32 @!p1 $0xFFFFFFFF, s12;
	s18 =	smul.u32 @!p1 $0xC80, s11  }
0x21: {  	s31 =	sadd.s32 $0xFFFFFFFF, s12;
	s17 =	sshll.u32 @!p1 s17, $0xD;
	s15 =	ssub.s32 @!p1 s15, s16  }
0x22: {  	s16 =	sand.u32 @!p1 $0x2000, s17;
	s17 =	sadd.s32 @!p1 s6, s18;
	s15 =	sshll.u32 @!p1 s15, $0x4  }
0x23: {  	s18 =	simm.s32 @!p1 $0x6400;
	s15 =	sadd.s32 @!p1 s15, s17;
	s17 =	simm.s32 @!p1 $0x40  }
0x24: {  	[tilespmem:s16], [sflag:$0x1] =	stream.strided.gather @!p1 [hbm4b:s15+s17], $0x2000, s18, s17, $0x38;
	[tilespmem:$0x8080] =	vst v63  }
0x25: {  	p1 =	sge.u32 s31, s5  }
.Ltmp2:
0x26: {  	_ = 	snop;
	(pc) =	sbr.rel @p1 .LBB1_5-.Ltmp2, $1  }
0x27: {  	_ =	sdelay $0x3  }
0x28: {  	s15 =	simm.s32 $0x1  }
0x29: {  	_ =	swait.ge [sflag:s4], $0x2000;
	s15 =	simm.s32 @!p0 $0x0  }
0x2a: {  	[sflag:s4] =	ssyncset.done $0x0;
	s16 =	sshll.u32 s15, $0xD  }
0x2b: {  	[sflag:s4] =	ssyncadd.s32 $0xFFFFE000;
	s19 =	sor.u32 $0x20, s16  }
0x2c: {  	s15 =	smul.u32 $0x8100, s15;
	v3 =	vld [tilespmem:s19+$0x10]  }
0x2d: {  	s30 =	sand.u32 $0x1, s12;
	v2 =	vld [tilespmem:s19+$0xFFFFFFF0]  }
0x2e: {  	s16 =	smul.u32 $0x8100, s30;
	s15 =	sshrl.u32 s15, $0x2;
	v0 =	vld [tilespmem:s19+$0x0]  }
0x2f: {  	v1 =	vld [tilespmem:s19+$0xFFFFFFE0];
	s17 =	sor.u32 $0x4000, s15  }
0x30: {  	s31 =	sshrl.u32 s16, $0x2;
	s16 =	sadd.s32 $0x0, s17  }
0x31: {  	s18 =	simm.s32 $0x4;
	s19 =	sadd.s32 $0x40, s19;
	s15 =	sor.u32 $0x4000, s31;
	[tilespmem:s16+$0x1830 ss:$0x81] =	vst.msk $0xffff, v3  }
.LBB1_3:
0x32: {  	v3 =	vld [tilespmem:s19+$0x10];
	p1 =	sne.s32 s18, $0x1FC;
	[tilespmem:s16+$0x810 ss:$0x81] =	vst.msk $0xffff, v2;
	s20 =	smov.u32 s18;
	s18 =	sadd.s32 $0x4, s18  }
.Ltmp3:
0x33: {  	v2 =	vld [tilespmem:s19+$0xFFFFFFF0];
	[tilespmem:s16+$0x1020 ss:$0x81] =	vst.msk $0xffff, v0;
	(pc) =	sbr.rel @p1 .LBB1_3-.Ltmp3, $4  }
0x34: {  	v0 =	vld [tilespmem:s19+$0x0];
	[tilespmem:s16+$0x0 ss:$0x81] =	vst.msk $0xffff, v1  }
0x35: {  	s16 =	sshra.s32 s20, $0x2;
	v1 =	vld [tilespmem:s19+$0xFFFFFFE0]  }
0x36: {  	s16 =	sadd.s32 s16, s17  }
0x37: {  	s19 =	sadd.s32 $0x40, s19;
	[tilespmem:s16+$0x1830 ss:$0x81] =	vst.msk $0xffff, v3  }
.Ltmp4:
0x38: {  	_ = 	snop;
	(pc) =	sbr.rel .LBB1_4-.Ltmp4, $1  }
0x39: {  	_ =	sdelay $0x3  }
.LBB1_6:
0x3a: {  	_ =	sfence.sel $0x180000  }
0x3b: {  	s2 =	simm.s32 $0x1;
	[bflag:$0x0] =	sbarrier.arrive $0xFFFF  }
0x3c: {  	s31 =	simm.s32 $0x2;
	[sflag:s2] =	ssyncpa.u1 $0x1  }
0x3d: {  	[sflag:s31] =	ssyncpa.u1 $0x1  }
0x3e: {  	p0 =	sne.s32 s0, $0x0;
	_ =	strace $0x9000004A  }
0x3f: {  	s0 =	sadd.s32 @!p0 $0x100000, s1;
	[bflag:$0x2] =	sbarrier.arrive $0xFFFF  }
0x40: {  	[sflag:s0] =	ssyncadd.tile.s32 @!p0 $0x1;
	_ =	shalt  }
.Lfunc_end1:
_tile_overlayer_lowered:
.L_overlay_start_2:
0x41: {  	(tag) =	ssettag $0x2  }
0x42: {  	s0 =	rddreg [dreg:$0x0];
	s2 =	stileid.u32  }
0x43: {  	s1 =	rddreg [dreg:$0x1];
	p0 =	sne.s32 s2, $0x0  }
0x44: {  	s3 =	rddreg [dreg:$0x2];
	[bflag:$0x3] =	sbarrier.arrive $0xFFFF;
	s2 =	simm.s32 @!p0 $0x1C01  }
0x45: {  	[timem:s3], [sflag:s2] =	dma.local @!p0 [hbm:s0], s1  }
0x46: {  	s0 =	simm.s32 @!p0 $0x1  }
0x47: {  	_ =	swait.ge @!p0 [sflag:s0], s1  }
0x48: {  	s1 =	ssub.s32 @!p0 $0x0, s1;
	[sflag:s0] =	ssyncset.done @!p0 $0x0  }
0x49: {  	[sflag:s0] =	ssyncadd.s32 @!p0 s1  }
0x4a: {  	[bflag:$0x3] =	sbarrier.arrive $0xFFFF  }
0x4b: {  	_ =	shalt  }

</sc_bundles>
